<compile_context>
chip_gen: v7x
topology: tpu7x:2x2x1
jax: 0.10.2.dev20260603
libtpu: 0.0.44.dev20260713+nightly
codegen_flags: <defaults>
</compile_context>

<pallas_src>
import functools

import jax
import jax.numpy as jnp
from jax import lax
from jax.experimental import pallas as pl
from jax.experimental.pallas import tpu as pltpu
from jax.experimental.pallas import tpu_sc as plsc

_BN_EPS = 1e-5


def _pick_chunk(E, step):
    for ch in range(6400 - 6400 % step, 0, -step):
        if E % ch == 0:
            return ch
    return step


def _sc_aggregate(yT, src, dst):
    F, n = yT.shape
    E2 = src.shape[0]
    info = plsc.get_sparse_core_info()
    NC, NS, L = info.num_cores, info.num_subcores, info.num_lanes
    NW = NC * NS
    R = F // NW
    U = 8
    CH = _pick_chunk(E2, L * U)
    NCH = E2 // CH
    assert NCH >= 2
    mesh = plsc.VectorSubcoreMesh(core_axis_name="c", subcore_axis_name="s")

    @functools.partial(
        pl.kernel,
        mesh=mesh,
        compiler_params=pltpu.CompilerParams(needs_layout_passes=False),
        out_type=jax.ShapeDtypeStruct((F * n,), jnp.float32),
        scratch_types=[
            pltpu.VMEM((R * n,), jnp.float32),
            pltpu.VMEM((R * n,), jnp.float32),
            pltpu.VMEM((CH,), jnp.int32),
            pltpu.VMEM((CH,), jnp.int32),
            pltpu.VMEM((CH,), jnp.int32),
            pltpu.VMEM((CH,), jnp.int32),
            pltpu.SemaphoreType.DMA,
            pltpu.SemaphoreType.DMA,
            pltpu.SemaphoreType.DMA,
            pltpu.SemaphoreType.DMA,
        ],
    )
    def agg_kernel(yT_h, src_h, dst_h, out_h, ycol, acc,
                   sb0, db0, sb1, db1, sma, smb, smc, smd):
        wid = lax.axis_index("s") * NC + lax.axis_index("c")
        e0 = wid * R * n
        cp_y = pltpu.async_copy(yT_h.at[pl.ds(e0, R * n)], ycol, sma)
        cp_a = pltpu.async_copy(yT_h.at[pl.ds(e0, R * n)], acc, smb)
        cp_y.wait()
        cp_a.wait()

        def issue(k, sb, db, s_sem, d_sem):
            base = k * CH
            pltpu.async_copy(src_h.at[pl.ds(base, CH)], sb, s_sem)
            pltpu.async_copy(dst_h.at[pl.ds(base, CH)], db, d_sem)

        def drain(sb, db, s_sem, d_sem):
            pltpu.make_async_copy(src_h.at[pl.ds(0, CH)], sb, s_sem).wait()
            pltpu.make_async_copy(dst_h.at[pl.ds(0, CH)], db, d_sem).wait()

        def compute(sb, db):
            @plsc.parallel_loop(0, CH, L, unroll=U)
            def _(off):
                si = sb[pl.ds(off, L)]
                di = db[pl.ds(off, L)]
                for r in range(R):
                    sr = si if r == 0 else si + jnp.int32(r * n)
                    dr = di if r == 0 else di + jnp.int32(r * n)
                    v = plsc.load_gather(ycol, [sr])
                    plsc.addupdate_scatter(acc, [dr], v)

        issue(0, sb0, db0, sma, smb)

        def pair_body(t, _):
            k0 = 2 * t
            drain(sb0, db0, sma, smb)

            @pl.when(k0 + 1 < NCH)
            def _():
                issue(k0 + 1, sb1, db1, smc, smd)

            compute(sb0, db0)

            @pl.when(k0 + 1 < NCH)
            def _():
                drain(sb1, db1, smc, smd)

                @pl.when(k0 + 2 < NCH)
                def _():
                    issue(k0 + 2, sb0, db0, sma, smb)

                compute(sb1, db1)

            return 0

        lax.fori_loop(0, (NCH + 1) // 2, pair_body, 0)
        pltpu.async_copy(acc, out_h.at[pl.ds(e0, R * n)], sma).wait()

    out = agg_kernel(yT.reshape(F * n), src, dst)
    return out.reshape(F, n)


def _tc_in_proj(x, W1a):
    n, _ = x.shape
    f = W1a.shape[1]

    def body(x_ref, w_ref, o_ref):
        o_ref[...] = lax.dot_general(
            w_ref[...], x_ref[...], (((0,), (1,)), ((), ())),
            preferred_element_type=jnp.float32, precision=lax.Precision.HIGHEST)

    return pl.pallas_call(
        body, out_shape=jax.ShapeDtypeStruct((f, n), jnp.float32))(x, W1a)


def _tc_mid(agg1T, b1a, g1, be1, W1b, b1b, W2a):
    f1, n = agg1T.shape
    f2 = W2a.shape[1]

    def body(a_ref, ba_ref, g_ref, be_ref, wb_ref, bb_ref, wc_ref, o_ref):
        p = a_ref[...] + ba_ref[...]
        mu = jnp.mean(p, axis=1, keepdims=True)
        var = jnp.mean((p - mu) ** 2, axis=1, keepdims=True)
        bn = (p - mu) * lax.rsqrt(var + _BN_EPS) * g_ref[...] + be_ref[...]
        r = jnp.maximum(bn, 0.0)
        h = lax.dot_general(wb_ref[...], r, (((0,), (0,)), ((), ())),
                            preferred_element_type=jnp.float32, precision=lax.Precision.HIGHEST)
        z = jnp.maximum(h + bb_ref[...], 0.0)
        o_ref[...] = lax.dot_general(wc_ref[...], z, (((0,), (0,)), ((), ())),
                                     preferred_element_type=jnp.float32, precision=lax.Precision.HIGHEST)

    return pl.pallas_call(
        body, out_shape=jax.ShapeDtypeStruct((f2, n), jnp.float32))(
            agg1T, b1a, g1, be1, W1b, b1b, W2a)


def _tc_out(agg2T, b2a, g2, be2, W2b, b2b):
    _, n = agg2T.shape
    d = W2b.shape[1]

    def body(a_ref, ba_ref, g_ref, be_ref, wb_ref, bb_ref, h_ref, p_ref):
        p = a_ref[...] + ba_ref[...]
        mu = jnp.mean(p, axis=1, keepdims=True)
        var = jnp.mean((p - mu) ** 2, axis=1, keepdims=True)
        bn = (p - mu) * lax.rsqrt(var + _BN_EPS) * g_ref[...] + be_ref[...]
        r = jnp.maximum(bn, 0.0)
        h = lax.dot_general(r, wb_ref[...], (((0,), (0,)), ((), ())),
                            preferred_element_type=jnp.float32, precision=lax.Precision.HIGHEST)
        h = jnp.maximum(h + bb_ref[...], 0.0)
        h_ref[...] = h
        p_ref[...] = jnp.mean(h, axis=0, keepdims=True)

    return pl.pallas_call(
        body,
        out_shape=[jax.ShapeDtypeStruct((n, d), jnp.float32),
                   jax.ShapeDtypeStruct((1, d), jnp.float32)])(
            agg2T, b2a, g2, be2, W2b, b2b)


def kernel(x, edge_index, W1a, b1a, g1, be1, W1b, b1b,
           W2a, b2a, g2, be2, W2b, b2b):
    src = edge_index[0]
    dst = edge_index[1]
    y1T = _tc_in_proj(x, W1a)
    agg1T = _sc_aggregate(y1T, src, dst)
    y2T = _tc_mid(agg1T, b1a.reshape(-1, 1), g1.reshape(-1, 1),
                  be1.reshape(-1, 1), W1b, b1b.reshape(-1, 1), W2a)
    agg2T = _sc_aggregate(y2T, src, dst)
    h, pooled = _tc_out(agg2T, b2a.reshape(-1, 1), g2.reshape(-1, 1),
                        be2.reshape(-1, 1), W2b, b2b.reshape(1, -1))
    return (h, pooled)

# --- scband reference (transcript-rebuilt; emitter-appended) ---
"""Pipeline reference for scband-gin-3083786519230 (READ-ONLY COPY).

The authoritative reference and input builder live on the scoring server;
editing this copy changes nothing except your own understanding.
"""

import jax, jax.numpy as jnp
import numpy as np

N = 10000
E = 320000
D_IN = 128
EMB = 128
H1 = 32
H2 = 64
BN_EPS = 1e-5


def setup_inputs(seed: int = 0) -> dict:
    key = jax.random.key(seed)
    ks = jax.random.split(key, 16)
    x = jax.random.normal(ks[0], (N, D_IN), dtype=jnp.float32)
    edge_index = jax.random.randint(ks[1], (2, E), 0, N, dtype=jnp.int32)
    s = 0.05
    # MLP1: [D_IN, 32, 64] -> Linear(D_IN,32) + BN(32) + ReLU + Linear(32,64)
    W1a = jax.random.normal(ks[2], (D_IN, H1), dtype=jnp.float32) * s
    b1a = jnp.zeros((H1,), jnp.float32)
    g1 = jnp.ones((H1,), jnp.float32)
    be1 = jnp.zeros((H1,), jnp.float32)
    W1b = jax.random.normal(ks[3], (H1, H2), dtype=jnp.float32) * s
    b1b = jnp.zeros((H2,), jnp.float32)
    # MLP2: [64, 64, EMB] -> Linear(64,64) + BN(64) + ReLU + Linear(64,EMB)
    W2a = jax.random.normal(ks[4], (H2, H2), dtype=jnp.float32) * s
    b2a = jnp.zeros((H2,), jnp.float32)
    g2 = jnp.ones((H2,), jnp.float32)
    be2 = jnp.zeros((H2,), jnp.float32)
    W2b = jax.random.normal(ks[5], (H2, EMB), dtype=jnp.float32) * s
    b2b = jnp.zeros((EMB,), jnp.float32)
    return {"x": x, "edge_index": edge_index,
            "W1a": W1a, "b1a": b1a, "g1": g1, "be1": be1, "W1b": W1b, "b1b": b1b,
            "W2a": W2a, "b2a": b2a, "g2": g2, "be2": be2, "W2b": W2b, "b2b": b2b}


def _mlp(h, Wa, ba, g, be, Wb, bb):
    h = h @ Wa + ba
    mu = jnp.mean(h, axis=0)
    var = jnp.var(h, axis=0)
    h = (h - mu) / jnp.sqrt(var + BN_EPS) * g + be
    h = jax.nn.relu(h)
    return h @ Wb + bb


def _gin_conv(x, edge_index, Wa, ba, g, be, Wb, bb):
    src = edge_index[0]
    dst = edge_index[1]
    # sum aggregation of neighbor messages (scatter-add), eps = 0
    agg = jnp.zeros_like(x).at[dst].add(x[src])
    h = (1.0 + 0.0) * x + agg
    return _mlp(h, Wa, ba, g, be, Wb, bb)


def reference(x, edge_index, W1a, b1a, g1, be1, W1b, b1b, W2a, b2a, g2, be2, W2b, b2b):
    h = _gin_conv(x, edge_index, W1a, b1a, g1, be1, W1b, b1b)
    h = jax.nn.relu(h)
    h = _gin_conv(h, edge_index, W2a, b2a, g2, be2, W2b, b2b)
    h = jax.nn.relu(h)
    # batch is all zeros -> global_mean_pool reduces over all nodes into 1 graph
    pooled = jnp.mean(h, axis=0, keepdims=True)
    return (h, pooled)

if __name__ == "__main__":
    import jax
    _d = setup_inputs()
    print(jax.jit(kernel)(*tuple(_d.values())))

</pallas_src>

<mosaic_0001>
#map = affine_map<(d0, d1) -> (0)>
module attributes {stable_mosaic.version = 14 : i64} {
  func.func @agg_kernel(%arg0: i32, %arg1: i32, %arg2: memref<320000xf32, #tpu.memory_space<hbm>>, %arg3: memref<320000xi32, #tpu.memory_space<hbm>>, %arg4: memref<320000xi32, #tpu.memory_space<hbm>>, %arg5: memref<320000xf32, #tpu.memory_space<hbm>>, %arg6: memref<10000xf32, #tpu.memory_space<vmem>>, %arg7: memref<10000xf32, #tpu.memory_space<vmem>>, %arg8: memref<6400xi32, #tpu.memory_space<vmem>>, %arg9: memref<6400xi32, #tpu.memory_space<vmem>>, %arg10: memref<6400xi32, #tpu.memory_space<vmem>>, %arg11: memref<6400xi32, #tpu.memory_space<vmem>>, %arg12: memref<!tpu.dma_semaphore, #tpu.memory_space<semaphore_mem>>, %arg13: memref<!tpu.dma_semaphore, #tpu.memory_space<semaphore_mem>>, %arg14: memref<!tpu.dma_semaphore, #tpu.memory_space<semaphore_mem>>, %arg15: memref<!tpu.dma_semaphore, #tpu.memory_space<semaphore_mem>>) attributes {dimension_semantics = [#tpu.dimension_semantics<core_parallel>, #tpu.dimension_semantics<subcore_parallel>], iteration_bounds = array<i64: 2, 16>, scalar_prefetch = 0 : i64, scratch_operands = 10 : i64, tpu.core_type = #tpu.core_type<sc_vector_subcore>, window_params = [{transform_indices = #map}, {transform_indices = #map}, {transform_indices = #map}, {transform_indices = #map}]} {
    %mul3A = arith.constant 2 : i32
    %mul3A_0 = arith.muli %arg1, %mul3A : i32
    %add3A = arith.addi %mul3A_0, %arg0 : i32
    %mul3A_1 = arith.constant 1 : i32
    %mul3A_2 = arith.muli %add3A, %mul3A_1 : i32
    %mul3A_3 = arith.constant 10000 : i32
    %mul3A_4 = arith.muli %mul3A_2, %mul3A_3 : i32
    %dma_start3A = tpu.memref_slice %arg2[%mul3A_4] : memref<320000xf32, #tpu.memory_space<hbm>> -> memref<10000xf32, #tpu.memory_space<hbm>>
    %dma_start3A_5 = tpu.memref_slice %arg2[%mul3A_4] : memref<320000xf32, #tpu.memory_space<hbm>> -> memref<10000xf32, #tpu.memory_space<hbm>>
    tpu.enqueue_dma source(%dma_start3A_5 : memref<10000xf32, #tpu.memory_space<hbm>>) target(%arg6 : memref<10000xf32, #tpu.memory_space<vmem>>) target_semaphore(%arg12 : memref<!tpu.dma_semaphore, #tpu.memory_space<semaphore_mem>>)
    %dma_start3A_6 = tpu.memref_slice %arg2[%mul3A_4] : memref<320000xf32, #tpu.memory_space<hbm>> -> memref<10000xf32, #tpu.memory_space<hbm>>
    %dma_start3A_7 = tpu.memref_slice %arg2[%mul3A_4] : memref<320000xf32, #tpu.memory_space<hbm>> -> memref<10000xf32, #tpu.memory_space<hbm>>
    tpu.enqueue_dma source(%dma_start3A_7 : memref<10000xf32, #tpu.memory_space<hbm>>) target(%arg7 : memref<10000xf32, #tpu.memory_space<vmem>>) target_semaphore(%arg13 : memref<!tpu.dma_semaphore, #tpu.memory_space<semaphore_mem>>)
    %dma_wait3A = tpu.memref_slice %arg2[%mul3A_4] : memref<320000xf32, #tpu.memory_space<hbm>> -> memref<10000xf32, #tpu.memory_space<hbm>>
    %dma_wait3A_8 = tpu.memref_slice %arg2[%mul3A_4] : memref<320000xf32, #tpu.memory_space<hbm>> -> memref<10000xf32, #tpu.memory_space<hbm>>
    tpu.wait_dma2 semaphore(%arg12 : memref<!tpu.dma_semaphore, #tpu.memory_space<semaphore_mem>>) src(%dma_wait3A_8 : memref<10000xf32, #tpu.memory_space<hbm>>) dst(%arg6 : memref<10000xf32, #tpu.memory_space<vmem>>)
    %dma_wait3A_9 = tpu.memref_slice %arg2[%mul3A_4] : memref<320000xf32, #tpu.memory_space<hbm>> -> memref<10000xf32, #tpu.memory_space<hbm>>
    %dma_wait3A_10 = tpu.memref_slice %arg2[%mul3A_4] : memref<320000xf32, #tpu.memory_space<hbm>> -> memref<10000xf32, #tpu.memory_space<hbm>>
    tpu.wait_dma2 semaphore(%arg13 : memref<!tpu.dma_semaphore, #tpu.memory_space<semaphore_mem>>) src(%dma_wait3A_10 : memref<10000xf32, #tpu.memory_space<hbm>>) dst(%arg7 : memref<10000xf32, #tpu.memory_space<vmem>>)
    %dma_start3A_11 = arith.constant 0 : i32
    %dma_start3A_12 = tpu.memref_slice %arg3[%dma_start3A_11] : memref<320000xi32, #tpu.memory_space<hbm>> -> memref<6400xi32, #tpu.memory_space<hbm>>
    %dma_start3A_13 = arith.constant 0 : i32
    %dma_start3A_14 = tpu.memref_slice %arg3[%dma_start3A_13] : memref<320000xi32, #tpu.memory_space<hbm>> -> memref<6400xi32, #tpu.memory_space<hbm>>
    tpu.enqueue_dma source(%dma_start3A_14 : memref<6400xi32, #tpu.memory_space<hbm>>) target(%arg8 : memref<6400xi32, #tpu.memory_space<vmem>>) target_semaphore(%arg12 : memref<!tpu.dma_semaphore, #tpu.memory_space<semaphore_mem>>)
    %dma_start3A_15 = arith.constant 0 : i32
    %dma_start3A_16 = tpu.memref_slice %arg4[%dma_start3A_15] : memref<320000xi32, #tpu.memory_space<hbm>> -> memref<6400xi32, #tpu.memory_space<hbm>>
    %dma_start3A_17 = arith.constant 0 : i32
    %dma_start3A_18 = tpu.memref_slice %arg4[%dma_start3A_17] : memref<320000xi32, #tpu.memory_space<hbm>> -> memref<6400xi32, #tpu.memory_space<hbm>>
    tpu.enqueue_dma source(%dma_start3A_18 : memref<6400xi32, #tpu.memory_space<hbm>>) target(%arg9 : memref<6400xi32, #tpu.memory_space<vmem>>) target_semaphore(%arg13 : memref<!tpu.dma_semaphore, #tpu.memory_space<semaphore_mem>>)
    %scan3A = arith.constant 0 : i32
    %scan3A_19 = arith.constant 0 : i32
    %scan3A_20 = arith.constant 25 : i32
    %scan3A_21 = arith.addi %scan3A_19, %scan3A_20 : i32
    %scan3A_22 = arith.constant 1 : i32
    %scan3A_23 = scf.for %scan3A_29 = %scan3A_19 to %scan3A_21 step %scan3A_22 iter_args(%scan3A_30 = %scan3A) -> (i32)  : i32 {
      %mul3A_31 = arith.constant 2 : i32
      %mul3A_32 = arith.muli %mul3A_31, %scan3A_29 : i32
      %dma_wait3A_33 = arith.constant 0 : i32
      %dma_wait3A_34 = tpu.memref_slice %arg3[%dma_wait3A_33] : memref<320000xi32, #tpu.memory_space<hbm>> -> memref<6400xi32, #tpu.memory_space<hbm>>
      %dma_wait3A_35 = arith.constant 0 : i32
      %dma_wait3A_36 = tpu.memref_slice %arg3[%dma_wait3A_35] : memref<320000xi32, #tpu.memory_space<hbm>> -> memref<6400xi32, #tpu.memory_space<hbm>>
      tpu.wait_dma2 semaphore(%arg12 : memref<!tpu.dma_semaphore, #tpu.memory_space<semaphore_mem>>) src(%dma_wait3A_36 : memref<6400xi32, #tpu.memory_space<hbm>>) dst(%arg8 : memref<6400xi32, #tpu.memory_space<vmem>>)
      %dma_wait3A_37 = arith.constant 0 : i32
      %dma_wait3A_38 = tpu.memref_slice %arg4[%dma_wait3A_37] : memref<320000xi32, #tpu.memory_space<hbm>> -> memref<6400xi32, #tpu.memory_space<hbm>>
      %dma_wait3A_39 = arith.constant 0 : i32
      %dma_wait3A_40 = tpu.memref_slice %arg4[%dma_wait3A_39] : memref<320000xi32, #tpu.memory_space<hbm>> -> memref<6400xi32, #tpu.memory_space<hbm>>
      tpu.wait_dma2 semaphore(%arg13 : memref<!tpu.dma_semaphore, #tpu.memory_space<semaphore_mem>>) src(%dma_wait3A_40 : memref<6400xi32, #tpu.memory_space<hbm>>) dst(%arg9 : memref<6400xi32, #tpu.memory_space<vmem>>)
      %add3A_41 = arith.constant 1 : i32
      %add3A_42 = arith.addi %mul3A_32, %add3A_41 : i32
      %lt3A = arith.constant 50 : i32
      %lt3A_43 = arith.cmpi slt, %add3A_42, %lt3A : i32
      %convert_element_type3A = arith.extui %lt3A_43 : i1 to i32
      %cond3A = arith.constant 0 : i32
      %cond3A_44 = arith.cmpi ne, %convert_element_type3A, %cond3A : i32
      scf.if %cond3A_44 {
        %add3A_55 = arith.constant 1 : i32
        %add3A_56 = arith.addi %mul3A_32, %add3A_55 : i32
        %mul3A_57 = arith.constant 6400 : i32
        %mul3A_58 = arith.muli %add3A_56, %mul3A_57 : i32
        %dma_start3A_59 = tpu.memref_slice %arg3[%mul3A_58] : memref<320000xi32, #tpu.memory_space<hbm>> -> memref<6400xi32, #tpu.memory_space<hbm>>
        %dma_start3A_60 = tpu.memref_slice %arg3[%mul3A_58] : memref<320000xi32, #tpu.memory_space<hbm>> -> memref<6400xi32, #tpu.memory_space<hbm>>
        tpu.enqueue_dma source(%dma_start3A_60 : memref<6400xi32, #tpu.memory_space<hbm>>) target(%arg10 : memref<6400xi32, #tpu.memory_space<vmem>>) target_semaphore(%arg14 : memref<!tpu.dma_semaphore, #tpu.memory_space<semaphore_mem>>)
        %dma_start3A_61 = tpu.memref_slice %arg4[%mul3A_58] : memref<320000xi32, #tpu.memory_space<hbm>> -> memref<6400xi32, #tpu.memory_space<hbm>>
        %dma_start3A_62 = tpu.memref_slice %arg4[%mul3A_58] : memref<320000xi32, #tpu.memory_space<hbm>> -> memref<6400xi32, #tpu.memory_space<hbm>>
        tpu.enqueue_dma source(%dma_start3A_62 : memref<6400xi32, #tpu.memory_space<hbm>>) target(%arg11 : memref<6400xi32, #tpu.memory_space<vmem>>) target_semaphore(%arg15 : memref<!tpu.dma_semaphore, #tpu.memory_space<semaphore_mem>>)
      } else {
      }
      %parallel_loop3A = arith.constant 0 : i32
      %parallel_loop3A_45 = arith.constant 6400 : i32
      %parallel_loop3A_46 = arith.constant 16 : i32
      scf.for %parallel_loop3A_55 = %parallel_loop3A to %parallel_loop3A_45 step %parallel_loop3A_46  : i32 {
        %parallel_loop3A_56 = arith.index_cast %parallel_loop3A_55 : i32 to index
        %parallel_loop3A_57 = tpu.vector_load %arg8[%parallel_loop3A_56] {strides = array<i32>} : memref<6400xi32, #tpu.memory_space<vmem>>, vector<16xi32>,
        %parallel_loop3A_58 = arith.index_cast %parallel_loop3A_55 : i32 to index
        %parallel_loop3A_59 = tpu.vector_load %arg9[%parallel_loop3A_58] {strides = array<i32>} : memref<6400xi32, #tpu.memory_space<vmem>>, vector<16xi32>,
        %parallel_loop3A_60 = tpu.vector_load_idx %arg6[%parallel_loop3A_57] : memref<10000xf32, #tpu.memory_space<vmem>>[vector<16xi32>], vector<16xf32>,
        tpu.vector_store_idx %arg7[%parallel_loop3A_59], %parallel_loop3A_60 {add = true} : memref<10000xf32, #tpu.memory_space<vmem>>[vector<16xi32>], vector<16xf32>,
      } {sc.loop_unroll_factor = 8 : i64, sc.parallel_access}
      %add3A_47 = arith.constant 1 : i32
      %add3A_48 = arith.addi %mul3A_32, %add3A_47 : i32
      %lt3A_49 = arith.constant 50 : i32
      %lt3A_50 = arith.cmpi slt, %add3A_48, %lt3A_49 : i32
      %convert_element_type3A_51 = arith.extui %lt3A_50 : i1 to i32
      %cond3A_52 = arith.constant 0 : i32
      %cond3A_53 = arith.cmpi ne, %convert_element_type3A_51, %cond3A_52 : i32
      scf.if %cond3A_53 {
        %dma_wait3A_55 = arith.constant 0 : i32
        %dma_wait3A_56 = tpu.memref_slice %arg3[%dma_wait3A_55] : memref<320000xi32, #tpu.memory_space<hbm>> -> memref<6400xi32, #tpu.memory_space<hbm>>
        %dma_wait3A_57 = arith.constant 0 : i32
        %dma_wait3A_58 = tpu.memref_slice %arg3[%dma_wait3A_57] : memref<320000xi32, #tpu.memory_space<hbm>> -> memref<6400xi32, #tpu.memory_space<hbm>>
        tpu.wait_dma2 semaphore(%arg14 : memref<!tpu.dma_semaphore, #tpu.memory_space<semaphore_mem>>) src(%dma_wait3A_58 : memref<6400xi32, #tpu.memory_space<hbm>>) dst(%arg10 : memref<6400xi32, #tpu.memory_space<vmem>>)
        %dma_wait3A_59 = arith.constant 0 : i32
        %dma_wait3A_60 = tpu.memref_slice %arg4[%dma_wait3A_59] : memref<320000xi32, #tpu.memory_space<hbm>> -> memref<6400xi32, #tpu.memory_space<hbm>>
        %dma_wait3A_61 = arith.constant 0 : i32
        %dma_wait3A_62 = tpu.memref_slice %arg4[%dma_wait3A_61] : memref<320000xi32, #tpu.memory_space<hbm>> -> memref<6400xi32, #tpu.memory_space<hbm>>
        tpu.wait_dma2 semaphore(%arg15 : memref<!tpu.dma_semaphore, #tpu.memory_space<semaphore_mem>>) src(%dma_wait3A_62 : memref<6400xi32, #tpu.memory_space<hbm>>) dst(%arg11 : memref<6400xi32, #tpu.memory_space<vmem>>)
        %add3A_63 = arith.constant 2 : i32
        %add3A_64 = arith.addi %mul3A_32, %add3A_63 : i32
        %lt3A_65 = arith.constant 50 : i32
        %lt3A_66 = arith.cmpi slt, %add3A_64, %lt3A_65 : i32
        %convert_element_type3A_67 = arith.extui %lt3A_66 : i1 to i32
        %cond3A_68 = arith.constant 0 : i32
        %cond3A_69 = arith.cmpi ne, %convert_element_type3A_67, %cond3A_68 : i32
        scf.if %cond3A_69 {
          %add3A_73 = arith.constant 2 : i32
          %add3A_74 = arith.addi %mul3A_32, %add3A_73 : i32
          %mul3A_75 = arith.constant 6400 : i32
          %mul3A_76 = arith.muli %add3A_74, %mul3A_75 : i32
          %dma_start3A_77 = tpu.memref_slice %arg3[%mul3A_76] : memref<320000xi32, #tpu.memory_space<hbm>> -> memref<6400xi32, #tpu.memory_space<hbm>>
          %dma_start3A_78 = tpu.memref_slice %arg3[%mul3A_76] : memref<320000xi32, #tpu.memory_space<hbm>> -> memref<6400xi32, #tpu.memory_space<hbm>>
          tpu.enqueue_dma source(%dma_start3A_78 : memref<6400xi32, #tpu.memory_space<hbm>>) target(%arg8 : memref<6400xi32, #tpu.memory_space<vmem>>) target_semaphore(%arg12 : memref<!tpu.dma_semaphore, #tpu.memory_space<semaphore_mem>>)
          %dma_start3A_79 = tpu.memref_slice %arg4[%mul3A_76] : memref<320000xi32, #tpu.memory_space<hbm>> -> memref<6400xi32, #tpu.memory_space<hbm>>
          %dma_start3A_80 = tpu.memref_slice %arg4[%mul3A_76] : memref<320000xi32, #tpu.memory_space<hbm>> -> memref<6400xi32, #tpu.memory_space<hbm>>
          tpu.enqueue_dma source(%dma_start3A_80 : memref<6400xi32, #tpu.memory_space<hbm>>) target(%arg9 : memref<6400xi32, #tpu.memory_space<vmem>>) target_semaphore(%arg13 : memref<!tpu.dma_semaphore, #tpu.memory_space<semaphore_mem>>)
        } else {
        }
        %parallel_loop3A_70 = arith.constant 0 : i32
        %parallel_loop3A_71 = arith.constant 6400 : i32
        %parallel_loop3A_72 = arith.constant 16 : i32
        scf.for %parallel_loop3A_73 = %parallel_loop3A_70 to %parallel_loop3A_71 step %parallel_loop3A_72  : i32 {
          %parallel_loop3A_74 = arith.index_cast %parallel_loop3A_73 : i32 to index
          %parallel_loop3A_75 = tpu.vector_load %arg10[%parallel_loop3A_74] {strides = array<i32>} : memref<6400xi32, #tpu.memory_space<vmem>>, vector<16xi32>,
          %parallel_loop3A_76 = arith.index_cast %parallel_loop3A_73 : i32 to index
          %parallel_loop3A_77 = tpu.vector_load %arg11[%parallel_loop3A_76] {strides = array<i32>} : memref<6400xi32, #tpu.memory_space<vmem>>, vector<16xi32>,
          %parallel_loop3A_78 = tpu.vector_load_idx %arg6[%parallel_loop3A_75] : memref<10000xf32, #tpu.memory_space<vmem>>[vector<16xi32>], vector<16xf32>,
          tpu.vector_store_idx %arg7[%parallel_loop3A_77], %parallel_loop3A_78 {add = true} : memref<10000xf32, #tpu.memory_space<vmem>>[vector<16xi32>], vector<16xf32>,
        } {sc.loop_unroll_factor = 8 : i64, sc.parallel_access}
      } else {
      }
      %scan3A_54 = arith.constant 0 : i32
      scf.yield %scan3A_54 : i32
    }
    %scan3A_24 = arith.constant 25 : i32
    %dma_start3A_25 = tpu.memref_slice %arg5[%mul3A_4] : memref<320000xf32, #tpu.memory_space<hbm>> -> memref<10000xf32, #tpu.memory_space<hbm>>
    %dma_start3A_26 = tpu.memref_slice %arg5[%mul3A_4] : memref<320000xf32, #tpu.memory_space<hbm>> -> memref<10000xf32, #tpu.memory_space<hbm>>
    tpu.enqueue_dma source(%arg7 : memref<10000xf32, #tpu.memory_space<vmem>>) target(%dma_start3A_26 : memref<10000xf32, #tpu.memory_space<hbm>>) target_semaphore(%arg12 : memref<!tpu.dma_semaphore, #tpu.memory_space<semaphore_mem>>)
    %dma_wait3A_27 = tpu.memref_slice %arg5[%mul3A_4] : memref<320000xf32, #tpu.memory_space<hbm>> -> memref<10000xf32, #tpu.memory_space<hbm>>
    %dma_wait3A_28 = tpu.memref_slice %arg5[%mul3A_4] : memref<320000xf32, #tpu.memory_space<hbm>> -> memref<10000xf32, #tpu.memory_space<hbm>>
    tpu.wait_dma2 semaphore(%arg12 : memref<!tpu.dma_semaphore, #tpu.memory_space<semaphore_mem>>) src(%arg7 : memref<10000xf32, #tpu.memory_space<vmem>>) dst(%dma_wait3A_28 : memref<10000xf32, #tpu.memory_space<hbm>>)
    return
  }
}

#map = affine_map<(d0, d1) -> (0)>
module attributes {stable_mosaic.version = 14 : i64} {
  func.func @agg_kernel(%arg0: i32, %arg1: i32, %arg2: memref<640000xf32, #tpu.memory_space<hbm>>, %arg3: memref<320000xi32, #tpu.memory_space<hbm>>, %arg4: memref<320000xi32, #tpu.memory_space<hbm>>, %arg5: memref<640000xf32, #tpu.memory_space<hbm>>, %arg6: memref<20000xf32, #tpu.memory_space<vmem>>, %arg7: memref<20000xf32, #tpu.memory_space<vmem>>, %arg8: memref<6400xi32, #tpu.memory_space<vmem>>, %arg9: memref<6400xi32, #tpu.memory_space<vmem>>, %arg10: memref<6400xi32, #tpu.memory_space<vmem>>, %arg11: memref<6400xi32, #tpu.memory_space<vmem>>, %arg12: memref<!tpu.dma_semaphore, #tpu.memory_space<semaphore_mem>>, %arg13: memref<!tpu.dma_semaphore, #tpu.memory_space<semaphore_mem>>, %arg14: memref<!tpu.dma_semaphore, #tpu.memory_space<semaphore_mem>>, %arg15: memref<!tpu.dma_semaphore, #tpu.memory_space<semaphore_mem>>) attributes {dimension_semantics = [#tpu.dimension_semantics<core_parallel>, #tpu.dimension_semantics<subcore_parallel>], iteration_bounds = array<i64: 2, 16>, scalar_prefetch = 0 : i64, scratch_operands = 10 : i64, tpu.core_type = #tpu.core_type<sc_vector_subcore>, window_params = [{transform_indices = #map}, {transform_indices = #map}, {transform_indices = #map}, {transform_indices = #map}]} {
    %mul3A = arith.constant 2 : i32
    %mul3A_0 = arith.muli %arg1, %mul3A : i32
    %add3A = arith.addi %mul3A_0, %arg0 : i32
    %mul3A_1 = arith.constant 2 : i32
    %mul3A_2 = arith.muli %add3A, %mul3A_1 : i32
    %mul3A_3 = arith.constant 10000 : i32
    %mul3A_4 = arith.muli %mul3A_2, %mul3A_3 : i32
    %dma_start3A = tpu.memref_slice %arg2[%mul3A_4] : memref<640000xf32, #tpu.memory_space<hbm>> -> memref<20000xf32, #tpu.memory_space<hbm>>
    %dma_start3A_5 = tpu.memref_slice %arg2[%mul3A_4] : memref<640000xf32, #tpu.memory_space<hbm>> -> memref<20000xf32, #tpu.memory_space<hbm>>
    tpu.enqueue_dma source(%dma_start3A_5 : memref<20000xf32, #tpu.memory_space<hbm>>) target(%arg6 : memref<20000xf32, #tpu.memory_space<vmem>>) target_semaphore(%arg12 : memref<!tpu.dma_semaphore, #tpu.memory_space<semaphore_mem>>)
    %dma_start3A_6 = tpu.memref_slice %arg2[%mul3A_4] : memref<640000xf32, #tpu.memory_space<hbm>> -> memref<20000xf32, #tpu.memory_space<hbm>>
    %dma_start3A_7 = tpu.memref_slice %arg2[%mul3A_4] : memref<640000xf32, #tpu.memory_space<hbm>> -> memref<20000xf32, #tpu.memory_space<hbm>>
    tpu.enqueue_dma source(%dma_start3A_7 : memref<20000xf32, #tpu.memory_space<hbm>>) target(%arg7 : memref<20000xf32, #tpu.memory_space<vmem>>) target_semaphore(%arg13 : memref<!tpu.dma_semaphore, #tpu.memory_space<semaphore_mem>>)
    %dma_wait3A = tpu.memref_slice %arg2[%mul3A_4] : memref<640000xf32, #tpu.memory_space<hbm>> -> memref<20000xf32, #tpu.memory_space<hbm>>
    %dma_wait3A_8 = tpu.memref_slice %arg2[%mul3A_4] : memref<640000xf32, #tpu.memory_space<hbm>> -> memref<20000xf32, #tpu.memory_space<hbm>>
    tpu.wait_dma2 semaphore(%arg12 : memref<!tpu.dma_semaphore, #tpu.memory_space<semaphore_mem>>) src(%dma_wait3A_8 : memref<20000xf32, #tpu.memory_space<hbm>>) dst(%arg6 : memref<20000xf32, #tpu.memory_space<vmem>>)
    %dma_wait3A_9 = tpu.memref_slice %arg2[%mul3A_4] : memref<640000xf32, #tpu.memory_space<hbm>> -> memref<20000xf32, #tpu.memory_space<hbm>>
    %dma_wait3A_10 = tpu.memref_slice %arg2[%mul3A_4] : memref<640000xf32, #tpu.memory_space<hbm>> -> memref<20000xf32, #tpu.memory_space<hbm>>
    tpu.wait_dma2 semaphore(%arg13 : memref<!tpu.dma_semaphore, #tpu.memory_space<semaphore_mem>>) src(%dma_wait3A_10 : memref<20000xf32, #tpu.memory_space<hbm>>) dst(%arg7 : memref<20000xf32, #tpu.memory_space<vmem>>)
    %dma_start3A_11 = arith.constant 0 : i32
    %dma_start3A_12 = tpu.memref_slice %arg3[%dma_start3A_11] : memref<320000xi32, #tpu.memory_space<hbm>> -> memref<6400xi32, #tpu.memory_space<hbm>>
    %dma_start3A_13 = arith.constant 0 : i32
    %dma_start3A_14 = tpu.memref_slice %arg3[%dma_start3A_13] : memref<320000xi32, #tpu.memory_space<hbm>> -> memref<6400xi32, #tpu.memory_space<hbm>>
    tpu.enqueue_dma source(%dma_start3A_14 : memref<6400xi32, #tpu.memory_space<hbm>>) target(%arg8 : memref<6400xi32, #tpu.memory_space<vmem>>) target_semaphore(%arg12 : memref<!tpu.dma_semaphore, #tpu.memory_space<semaphore_mem>>)
    %dma_start3A_15 = arith.constant 0 : i32
    %dma_start3A_16 = tpu.memref_slice %arg4[%dma_start3A_15] : memref<320000xi32, #tpu.memory_space<hbm>> -> memref<6400xi32, #tpu.memory_space<hbm>>
    %dma_start3A_17 = arith.constant 0 : i32
    %dma_start3A_18 = tpu.memref_slice %arg4[%dma_start3A_17] : memref<320000xi32, #tpu.memory_space<hbm>> -> memref<6400xi32, #tpu.memory_space<hbm>>
    tpu.enqueue_dma source(%dma_start3A_18 : memref<6400xi32, #tpu.memory_space<hbm>>) target(%arg9 : memref<6400xi32, #tpu.memory_space<vmem>>) target_semaphore(%arg13 : memref<!tpu.dma_semaphore, #tpu.memory_space<semaphore_mem>>)
    %scan3A = arith.constant 0 : i32
    %scan3A_19 = arith.constant 0 : i32
    %scan3A_20 = arith.constant 25 : i32
    %scan3A_21 = arith.addi %scan3A_19, %scan3A_20 : i32
    %scan3A_22 = arith.constant 1 : i32
    %scan3A_23 = scf.for %scan3A_29 = %scan3A_19 to %scan3A_21 step %scan3A_22 iter_args(%scan3A_30 = %scan3A) -> (i32)  : i32 {
      %mul3A_31 = arith.constant 2 : i32
      %mul3A_32 = arith.muli %mul3A_31, %scan3A_29 : i32
      %dma_wait3A_33 = arith.constant 0 : i32
      %dma_wait3A_34 = tpu.memref_slice %arg3[%dma_wait3A_33] : memref<320000xi32, #tpu.memory_space<hbm>> -> memref<6400xi32, #tpu.memory_space<hbm>>
      %dma_wait3A_35 = arith.constant 0 : i32
      %dma_wait3A_36 = tpu.memref_slice %arg3[%dma_wait3A_35] : memref<320000xi32, #tpu.memory_space<hbm>> -> memref<6400xi32, #tpu.memory_space<hbm>>
      tpu.wait_dma2 semaphore(%arg12 : memref<!tpu.dma_semaphore, #tpu.memory_space<semaphore_mem>>) src(%dma_wait3A_36 : memref<6400xi32, #tpu.memory_space<hbm>>) dst(%arg8 : memref<6400xi32, #tpu.memory_space<vmem>>)
      %dma_wait3A_37 = arith.constant 0 : i32
      %dma_wait3A_38 = tpu.memref_slice %arg4[%dma_wait3A_37] : memref<320000xi32, #tpu.memory_space<hbm>> -> memref<6400xi32, #tpu.memory_space<hbm>>
      %dma_wait3A_39 = arith.constant 0 : i32
      %dma_wait3A_40 = tpu.memref_slice %arg4[%dma_wait3A_39] : memref<320000xi32, #tpu.memory_space<hbm>> -> memref<6400xi32, #tpu.memory_space<hbm>>
      tpu.wait_dma2 semaphore(%arg13 : memref<!tpu.dma_semaphore, #tpu.memory_space<semaphore_mem>>) src(%dma_wait3A_40 : memref<6400xi32, #tpu.memory_space<hbm>>) dst(%arg9 : memref<6400xi32, #tpu.memory_space<vmem>>)
      %add3A_41 = arith.constant 1 : i32
      %add3A_42 = arith.addi %mul3A_32, %add3A_41 : i32
      %lt3A = arith.constant 50 : i32
      %lt3A_43 = arith.cmpi slt, %add3A_42, %lt3A : i32
      %convert_element_type3A = arith.extui %lt3A_43 : i1 to i32
      %cond3A = arith.constant 0 : i32
      %cond3A_44 = arith.cmpi ne, %convert_element_type3A, %cond3A : i32
      scf.if %cond3A_44 {
        %add3A_55 = arith.constant 1 : i32
        %add3A_56 = arith.addi %mul3A_32, %add3A_55 : i32
        %mul3A_57 = arith.constant 6400 : i32
        %mul3A_58 = arith.muli %add3A_56, %mul3A_57 : i32
        %dma_start3A_59 = tpu.memref_slice %arg3[%mul3A_58] : memref<320000xi32, #tpu.memory_space<hbm>> -> memref<6400xi32, #tpu.memory_space<hbm>>
        %dma_start3A_60 = tpu.memref_slice %arg3[%mul3A_58] : memref<320000xi32, #tpu.memory_space<hbm>> -> memref<6400xi32, #tpu.memory_space<hbm>>
        tpu.enqueue_dma source(%dma_start3A_60 : memref<6400xi32, #tpu.memory_space<hbm>>) target(%arg10 : memref<6400xi32, #tpu.memory_space<vmem>>) target_semaphore(%arg14 : memref<!tpu.dma_semaphore, #tpu.memory_space<semaphore_mem>>)
        %dma_start3A_61 = tpu.memref_slice %arg4[%mul3A_58] : memref<320000xi32, #tpu.memory_space<hbm>> -> memref<6400xi32, #tpu.memory_space<hbm>>
        %dma_start3A_62 = tpu.memref_slice %arg4[%mul3A_58] : memref<320000xi32, #tpu.memory_space<hbm>> -> memref<6400xi32, #tpu.memory_space<hbm>>
        tpu.enqueue_dma source(%dma_start3A_62 : memref<6400xi32, #tpu.memory_space<hbm>>) target(%arg11 : memref<6400xi32, #tpu.memory_space<vmem>>) target_semaphore(%arg15 : memref<!tpu.dma_semaphore, #tpu.memory_space<semaphore_mem>>)
      } else {
      }
      %parallel_loop3A = arith.constant 0 : i32
      %parallel_loop3A_45 = arith.constant 6400 : i32
      %parallel_loop3A_46 = arith.constant 16 : i32
      scf.for %parallel_loop3A_55 = %parallel_loop3A to %parallel_loop3A_45 step %parallel_loop3A_46  : i32 {
        %parallel_loop3A_56 = arith.index_cast %parallel_loop3A_55 : i32 to index
        %parallel_loop3A_57 = tpu.vector_load %arg8[%parallel_loop3A_56] {strides = array<i32>} : memref<6400xi32, #tpu.memory_space<vmem>>, vector<16xi32>,
        %parallel_loop3A_58 = arith.index_cast %parallel_loop3A_55 : i32 to index
        %parallel_loop3A_59 = tpu.vector_load %arg9[%parallel_loop3A_58] {strides = array<i32>} : memref<6400xi32, #tpu.memory_space<vmem>>, vector<16xi32>,
        %parallel_loop3A_60 = tpu.vector_load_idx %arg6[%parallel_loop3A_57] : memref<20000xf32, #tpu.memory_space<vmem>>[vector<16xi32>], vector<16xf32>,
        tpu.vector_store_idx %arg7[%parallel_loop3A_59], %parallel_loop3A_60 {add = true} : memref<20000xf32, #tpu.memory_space<vmem>>[vector<16xi32>], vector<16xf32>,
        %parallel_loop3A_61 = arith.constant 10000 : i32
        %parallel_loop3A_62 = vector.broadcast %parallel_loop3A_61 : i32 to vector<16xi32>
        %parallel_loop3A_63 = arith.addi %parallel_loop3A_57, %parallel_loop3A_62 : vector<16xi32>
        %parallel_loop3A_64 = arith.constant 10000 : i32
        %parallel_loop3A_65 = vector.broadcast %parallel_loop3A_64 : i32 to vector<16xi32>
        %parallel_loop3A_66 = arith.addi %parallel_loop3A_59, %parallel_loop3A_65 : vector<16xi32>
        %parallel_loop3A_67 = tpu.vector_load_idx %arg6[%parallel_loop3A_63] : memref<20000xf32, #tpu.memory_space<vmem>>[vector<16xi32>], vector<16xf32>,
        tpu.vector_store_idx %arg7[%parallel_loop3A_66], %parallel_loop3A_67 {add = true} : memref<20000xf32, #tpu.memory_space<vmem>>[vector<16xi32>], vector<16xf32>,
      } {sc.loop_unroll_factor = 8 : i64, sc.parallel_access}
      %add3A_47 = arith.constant 1 : i32
      %add3A_48 = arith.addi %mul3A_32, %add3A_47 : i32
      %lt3A_49 = arith.constant 50 : i32
      %lt3A_50 = arith.cmpi slt, %add3A_48, %lt3A_49 : i32
      %convert_element_type3A_51 = arith.extui %lt3A_50 : i1 to i32
      %cond3A_52 = arith.constant 0 : i32
      %cond3A_53 = arith.cmpi ne, %convert_element_type3A_51, %cond3A_52 : i32
      scf.if %cond3A_53 {
        %dma_wait3A_55 = arith.constant 0 : i32
        %dma_wait3A_56 = tpu.memref_slice %arg3[%dma_wait3A_55] : memref<320000xi32, #tpu.memory_space<hbm>> -> memref<6400xi32, #tpu.memory_space<hbm>>
        %dma_wait3A_57 = arith.constant 0 : i32
        %dma_wait3A_58 = tpu.memref_slice %arg3[%dma_wait3A_57] : memref<320000xi32, #tpu.memory_space<hbm>> -> memref<6400xi32, #tpu.memory_space<hbm>>
        tpu.wait_dma2 semaphore(%arg14 : memref<!tpu.dma_semaphore, #tpu.memory_space<semaphore_mem>>) src(%dma_wait3A_58 : memref<6400xi32, #tpu.memory_space<hbm>>) dst(%arg10 : memref<6400xi32, #tpu.memory_space<vmem>>)
        %dma_wait3A_59 = arith.constant 0 : i32
        %dma_wait3A_60 = tpu.memref_slice %arg4[%dma_wait3A_59] : memref<320000xi32, #tpu.memory_space<hbm>> -> memref<6400xi32, #tpu.memory_space<hbm>>
        %dma_wait3A_61 = arith.constant 0 : i32
        %dma_wait3A_62 = tpu.memref_slice %arg4[%dma_wait3A_61] : memref<320000xi32, #tpu.memory_space<hbm>> -> memref<6400xi32, #tpu.memory_space<hbm>>
        tpu.wait_dma2 semaphore(%arg15 : memref<!tpu.dma_semaphore, #tpu.memory_space<semaphore_mem>>) src(%dma_wait3A_62 : memref<6400xi32, #tpu.memory_space<hbm>>) dst(%arg11 : memref<6400xi32, #tpu.memory_space<vmem>>)
        %add3A_63 = arith.constant 2 : i32
        %add3A_64 = arith.addi %mul3A_32, %add3A_63 : i32
        %lt3A_65 = arith.constant 50 : i32
        %lt3A_66 = arith.cmpi slt, %add3A_64, %lt3A_65 : i32
        %convert_element_type3A_67 = arith.extui %lt3A_66 : i1 to i32
        %cond3A_68 = arith.constant 0 : i32
        %cond3A_69 = arith.cmpi ne, %convert_element_type3A_67, %cond3A_68 : i32
        scf.if %cond3A_69 {
          %add3A_73 = arith.constant 2 : i32
          %add3A_74 = arith.addi %mul3A_32, %add3A_73 : i32
          %mul3A_75 = arith.constant 6400 : i32
          %mul3A_76 = arith.muli %add3A_74, %mul3A_75 : i32
          %dma_start3A_77 = tpu.memref_slice %arg3[%mul3A_76] : memref<320000xi32, #tpu.memory_space<hbm>> -> memref<6400xi32, #tpu.memory_space<hbm>>
          %dma_start3A_78 = tpu.memref_slice %arg3[%mul3A_76] : memref<320000xi32, #tpu.memory_space<hbm>> -> memref<6400xi32, #tpu.memory_space<hbm>>
          tpu.enqueue_dma source(%dma_start3A_78 : memref<6400xi32, #tpu.memory_space<hbm>>) target(%arg8 : memref<6400xi32, #tpu.memory_space<vmem>>) target_semaphore(%arg12 : memref<!tpu.dma_semaphore, #tpu.memory_space<semaphore_mem>>)
          %dma_start3A_79 = tpu.memref_slice %arg4[%mul3A_76] : memref<320000xi32, #tpu.memory_space<hbm>> -> memref<6400xi32, #tpu.memory_space<hbm>>
          %dma_start3A_80 = tpu.memref_slice %arg4[%mul3A_76] : memref<320000xi32, #tpu.memory_space<hbm>> -> memref<6400xi32, #tpu.memory_space<hbm>>
          tpu.enqueue_dma source(%dma_start3A_80 : memref<6400xi32, #tpu.memory_space<hbm>>) target(%arg9 : memref<6400xi32, #tpu.memory_space<vmem>>) target_semaphore(%arg13 : memref<!tpu.dma_semaphore, #tpu.memory_space<semaphore_mem>>)
        } else {
        }
        %parallel_loop3A_70 = arith.constant 0 : i32
        %parallel_loop3A_71 = arith.constant 6400 : i32
        %parallel_loop3A_72 = arith.constant 16 : i32
        scf.for %parallel_loop3A_73 = %parallel_loop3A_70 to %parallel_loop3A_71 step %parallel_loop3A_72  : i32 {
          %parallel_loop3A_74 = arith.index_cast %parallel_loop3A_73 : i32 to index
          %parallel_loop3A_75 = tpu.vector_load %arg10[%parallel_loop3A_74] {strides = array<i32>} : memref<6400xi32, #tpu.memory_space<vmem>>, vector<16xi32>,
          %parallel_loop3A_76 = arith.index_cast %parallel_loop3A_73 : i32 to index
          %parallel_loop3A_77 = tpu.vector_load %arg11[%parallel_loop3A_76] {strides = array<i32>} : memref<6400xi32, #tpu.memory_space<vmem>>, vector<16xi32>,
          %parallel_loop3A_78 = tpu.vector_load_idx %arg6[%parallel_loop3A_75] : memref<20000xf32, #tpu.memory_space<vmem>>[vector<16xi32>], vector<16xf32>,
          tpu.vector_store_idx %arg7[%parallel_loop3A_77], %parallel_loop3A_78 {add = true} : memref<20000xf32, #tpu.memory_space<vmem>>[vector<16xi32>], vector<16xf32>,
          %parallel_loop3A_79 = arith.constant 10000 : i32
          %parallel_loop3A_80 = vector.broadcast %parallel_loop3A_79 : i32 to vector<16xi32>
          %parallel_loop3A_81 = arith.addi %parallel_loop3A_75, %parallel_loop3A_80 : vector<16xi32>
          %parallel_loop3A_82 = arith.constant 10000 : i32
          %parallel_loop3A_83 = vector.broadcast %parallel_loop3A_82 : i32 to vector<16xi32>
          %parallel_loop3A_84 = arith.addi %parallel_loop3A_77, %parallel_loop3A_83 : vector<16xi32>
          %parallel_loop3A_85 = tpu.vector_load_idx %arg6[%parallel_loop3A_81] : memref<20000xf32, #tpu.memory_space<vmem>>[vector<16xi32>], vector<16xf32>,
          tpu.vector_store_idx %arg7[%parallel_loop3A_84], %parallel_loop3A_85 {add = true} : memref<20000xf32, #tpu.memory_space<vmem>>[vector<16xi32>], vector<16xf32>,
        } {sc.loop_unroll_factor = 8 : i64, sc.parallel_access}
      } else {
      }
      %scan3A_54 = arith.constant 0 : i32
      scf.yield %scan3A_54 : i32
    }
    %scan3A_24 = arith.constant 25 : i32
    %dma_start3A_25 = tpu.memref_slice %arg5[%mul3A_4] : memref<640000xf32, #tpu.memory_space<hbm>> -> memref<20000xf32, #tpu.memory_space<hbm>>
    %dma_start3A_26 = tpu.memref_slice %arg5[%mul3A_4] : memref<640000xf32, #tpu.memory_space<hbm>> -> memref<20000xf32, #tpu.memory_space<hbm>>
    tpu.enqueue_dma source(%arg7 : memref<20000xf32, #tpu.memory_space<vmem>>) target(%dma_start3A_26 : memref<20000xf32, #tpu.memory_space<hbm>>) target_semaphore(%arg12 : memref<!tpu.dma_semaphore, #tpu.memory_space<semaphore_mem>>)
    %dma_wait3A_27 = tpu.memref_slice %arg5[%mul3A_4] : memref<640000xf32, #tpu.memory_space<hbm>> -> memref<20000xf32, #tpu.memory_space<hbm>>
    %dma_wait3A_28 = tpu.memref_slice %arg5[%mul3A_4] : memref<640000xf32, #tpu.memory_space<hbm>> -> memref<20000xf32, #tpu.memory_space<hbm>>
    tpu.wait_dma2 semaphore(%arg12 : memref<!tpu.dma_semaphore, #tpu.memory_space<semaphore_mem>>) src(%arg7 : memref<20000xf32, #tpu.memory_space<vmem>>) dst(%dma_wait3A_28 : memref<20000xf32, #tpu.memory_space<hbm>>)
    return
  }
}

module attributes {stable_mosaic.version = 14 : i64} {
  func.func @body(%arg0: memref<10000x128xf32, #tpu.memory_space<vmem>>, %arg1: memref<128x32xf32, #tpu.memory_space<vmem>>, %arg2: memref<32x10000xf32, #tpu.memory_space<vmem>>) attributes {dimension_semantics = [], scalar_prefetch = 0 : i64, scratch_operands = 0 : i64, tpu.core_type = #tpu.core_type<tc>} {
    %get3A = arith.constant 0 : index
    %get3A_0 = arith.constant 0 : index
    %get3A_1 = vector.load %arg1[%get3A, %get3A_0] : memref<128x32xf32, #tpu.memory_space<vmem>>, vector<128x32xf32>
    %get3A_2 = arith.constant 0 : index
    %get3A_3 = arith.constant 0 : index
    %get3A_4 = vector.load %arg0[%get3A_2, %get3A_3] : memref<10000x128xf32, #tpu.memory_space<vmem>>, vector<10000x128xf32>
    %dot_general3A = arith.constant dense<0.000000e+00> : vector<32x10000xf32>
    %dot_general3A_5 = tpu.matmul %get3A_1, %get3A_4, %dot_general3A {dimension_numbers = #tpu.dot_dimension_numbers<[0], [1], [1], [0], [0, 1, 1, 0], [], []>, precision = #tpu.contract_precision<fp32>, transpose_lhs_hint = false} : vector<128x32xf32>, vector<10000x128xf32>, vector<32x10000xf32> -> vector<32x10000xf32>
    %swap3A = arith.constant 0 : index
    %swap3A_6 = arith.constant 0 : index
    %swap3A_7 = vector.load %arg2[%swap3A, %swap3A_6] : memref<32x10000xf32, #tpu.memory_space<vmem>>, vector<32x10000xf32>
    tpu.vector_store %arg2[%swap3A, %swap3A_6], %dot_general3A_5 {strides = array<i32>} : memref<32x10000xf32, #tpu.memory_space<vmem>>, vector<32x10000xf32>,
    return
  }
}

module attributes {stable_mosaic.version = 14 : i64} {
  func.func @body(%arg0: memref<32x10000xf32, #tpu.memory_space<vmem>>, %arg1: memref<32x1xf32, #tpu.memory_space<vmem>>, %arg2: memref<32x1xf32, #tpu.memory_space<vmem>>, %arg3: memref<32x1xf32, #tpu.memory_space<vmem>>, %arg4: memref<32x64xf32, #tpu.memory_space<vmem>>, %arg5: memref<64x1xf32, #tpu.memory_space<vmem>>, %arg6: memref<64x64xf32, #tpu.memory_space<vmem>>, %arg7: memref<64x10000xf32, #tpu.memory_space<vmem>>) attributes {dimension_semantics = [], scalar_prefetch = 0 : i64, scratch_operands = 0 : i64, tpu.core_type = #tpu.core_type<tc>} {
    %get3A = arith.constant 0 : index
    %get3A_0 = arith.constant 0 : index
    %get3A_1 = vector.load %arg0[%get3A, %get3A_0] : memref<32x10000xf32, #tpu.memory_space<vmem>>, vector<32x10000xf32>
    %get3A_2 = arith.constant 0 : index
    %get3A_3 = arith.constant 0 : index
    %get3A_4 = vector.load %arg1[%get3A_2, %get3A_3] : memref<32x1xf32, #tpu.memory_space<vmem>>, vector<32x1xf32>
    %add3A = vector.broadcast %get3A_4 : vector<32x1xf32> to vector<32x10000xf32>
    %add3A_5 = arith.addf %get3A_1, %add3A : vector<32x10000xf32>
    %reduce_sum3A = arith.constant dense<0.000000e+00> : vector<32xf32>
    %reduce_sum3A_6 = vector.multi_reduction <add>, %add3A_5, %reduce_sum3A [1] : vector<32x10000xf32> to vector<32xf32>
    %broadcast_in_dim3A = vector.shape_cast %reduce_sum3A_6 : vector<32xf32> to vector<32x1xf32>
    %div3A = arith.constant 1.000000e+04 : f32
    %div3A_7 = vector.broadcast %div3A : f32 to vector<32x1xf32>
    %div3A_8 = arith.divf %broadcast_in_dim3A, %div3A_7 : vector<32x1xf32>
    %sub3A = vector.broadcast %div3A_8 : vector<32x1xf32> to vector<32x10000xf32>
    %sub3A_9 = arith.subf %add3A_5, %sub3A : vector<32x10000xf32>
    %integer_pow3A = arith.mulf %sub3A_9, %sub3A_9 : vector<32x10000xf32>
    %reduce_sum3A_10 = arith.constant dense<0.000000e+00> : vector<32xf32>
    %reduce_sum3A_11 = vector.multi_reduction <add>, %integer_pow3A, %reduce_sum3A_10 [1] : vector<32x10000xf32> to vector<32xf32>
    %broadcast_in_dim3A_12 = vector.shape_cast %reduce_sum3A_11 : vector<32xf32> to vector<32x1xf32>
    %div3A_13 = arith.constant 1.000000e+04 : f32
    %div3A_14 = vector.broadcast %div3A_13 : f32 to vector<32x1xf32>
    %div3A_15 = arith.divf %broadcast_in_dim3A_12, %div3A_14 : vector<32x1xf32>
    %sub3A_16 = vector.broadcast %div3A_8 : vector<32x1xf32> to vector<32x10000xf32>
    %sub3A_17 = arith.subf %add3A_5, %sub3A_16 : vector<32x10000xf32>
    %add3A_18 = arith.constant 9.99999974E-6 : f32
    %add3A_19 = vector.broadcast %add3A_18 : f32 to vector<32x1xf32>
    %add3A_20 = arith.addf %div3A_15, %add3A_19 : vector<32x1xf32>
    %rsqrt3A = math.rsqrt %add3A_20 : vector<32x1xf32>
    %mul3A = vector.broadcast %rsqrt3A : vector<32x1xf32> to vector<32x10000xf32>
    %mul3A_21 = arith.mulf %sub3A_17, %mul3A : vector<32x10000xf32>
    %get3A_22 = arith.constant 0 : index
    %get3A_23 = arith.constant 0 : index
    %get3A_24 = vector.load %arg2[%get3A_22, %get3A_23] : memref<32x1xf32, #tpu.memory_space<vmem>>, vector<32x1xf32>
    %mul3A_25 = vector.broadcast %get3A_24 : vector<32x1xf32> to vector<32x10000xf32>
    %mul3A_26 = arith.mulf %mul3A_21, %mul3A_25 : vector<32x10000xf32>
    %get3A_27 = arith.constant 0 : index
    %get3A_28 = arith.constant 0 : index
    %get3A_29 = vector.load %arg3[%get3A_27, %get3A_28] : memref<32x1xf32, #tpu.memory_space<vmem>>, vector<32x1xf32>
    %add3A_30 = vector.broadcast %get3A_29 : vector<32x1xf32> to vector<32x10000xf32>
    %add3A_31 = arith.addf %mul3A_26, %add3A_30 : vector<32x10000xf32>
    %max3A = arith.constant 0.000000e+00 : f32
    %max3A_32 = vector.broadcast %max3A : f32 to vector<32x10000xf32>
    %max3A_33 = arith.maximumf %add3A_31, %max3A_32 : vector<32x10000xf32>
    %get3A_34 = arith.constant 0 : index
    %get3A_35 = arith.constant 0 : index
    %get3A_36 = vector.load %arg4[%get3A_34, %get3A_35] : memref<32x64xf32, #tpu.memory_space<vmem>>, vector<32x64xf32>
    %dot_general3A = arith.constant dense<0.000000e+00> : vector<64x10000xf32>
    %dot_general3A_37 = tpu.matmul %get3A_36, %max3A_33, %dot_general3A {dimension_numbers = #tpu.dot_dimension_numbers<[0], [0], [1], [1], [0, 1, 1, 1], [], []>, precision = #tpu.contract_precision<fp32>, transpose_lhs_hint = false} : vector<32x64xf32>, vector<32x10000xf32>, vector<64x10000xf32> -> vector<64x10000xf32>
    %get3A_38 = arith.constant 0 : index
    %get3A_39 = arith.constant 0 : index
    %get3A_40 = vector.load %arg5[%get3A_38, %get3A_39] : memref<64x1xf32, #tpu.memory_space<vmem>>, vector<64x1xf32>
    %add3A_41 = vector.broadcast %get3A_40 : vector<64x1xf32> to vector<64x10000xf32>
    %add3A_42 = arith.addf %dot_general3A_37, %add3A_41 : vector<64x10000xf32>
    %max3A_43 = arith.constant 0.000000e+00 : f32
    %max3A_44 = vector.broadcast %max3A_43 : f32 to vector<64x10000xf32>
    %max3A_45 = arith.maximumf %add3A_42, %max3A_44 : vector<64x10000xf32>
    %get3A_46 = arith.constant 0 : index
    %get3A_47 = arith.constant 0 : index
    %get3A_48 = vector.load %arg6[%get3A_46, %get3A_47] : memref<64x64xf32, #tpu.memory_space<vmem>>, vector<64x64xf32>
    %dot_general3A_49 = arith.constant dense<0.000000e+00> : vector<64x10000xf32>
    %dot_general3A_50 = tpu.matmul %get3A_48, %max3A_45, %dot_general3A_49 {dimension_numbers = #tpu.dot_dimension_numbers<[0], [0], [1], [1], [0, 1, 1, 1], [], []>, precision = #tpu.contract_precision<fp32>, transpose_lhs_hint = false} : vector<64x64xf32>, vector<64x10000xf32>, vector<64x10000xf32> -> vector<64x10000xf32>
    %swap3A = arith.constant 0 : index
    %swap3A_51 = arith.constant 0 : index
    %swap3A_52 = vector.load %arg7[%swap3A, %swap3A_51] : memref<64x10000xf32, #tpu.memory_space<vmem>>, vector<64x10000xf32>
    tpu.vector_store %arg7[%swap3A, %swap3A_51], %dot_general3A_50 {strides = array<i32>} : memref<64x10000xf32, #tpu.memory_space<vmem>>, vector<64x10000xf32>,
    return
  }
}

module attributes {stable_mosaic.version = 14 : i64} {
  func.func @body(%arg0: memref<64x10000xf32, #tpu.memory_space<vmem>>, %arg1: memref<64x1xf32, #tpu.memory_space<vmem>>, %arg2: memref<64x1xf32, #tpu.memory_space<vmem>>, %arg3: memref<64x1xf32, #tpu.memory_space<vmem>>, %arg4: memref<64x128xf32, #tpu.memory_space<vmem>>, %arg5: memref<1x128xf32, #tpu.memory_space<vmem>>, %arg6: memref<10000x128xf32, #tpu.memory_space<vmem>>, %arg7: memref<1x128xf32, #tpu.memory_space<vmem>>) attributes {dimension_semantics = [], scalar_prefetch = 0 : i64, scratch_operands = 0 : i64, tpu.core_type = #tpu.core_type<tc>} {
    %get3A = arith.constant 0 : index
    %get3A_0 = arith.constant 0 : index
    %get3A_1 = vector.load %arg0[%get3A, %get3A_0] : memref<64x10000xf32, #tpu.memory_space<vmem>>, vector<64x10000xf32>
    %get3A_2 = arith.constant 0 : index
    %get3A_3 = arith.constant 0 : index
    %get3A_4 = vector.load %arg1[%get3A_2, %get3A_3] : memref<64x1xf32, #tpu.memory_space<vmem>>, vector<64x1xf32>
    %add3A = vector.broadcast %get3A_4 : vector<64x1xf32> to vector<64x10000xf32>
    %add3A_5 = arith.addf %get3A_1, %add3A : vector<64x10000xf32>
    %reduce_sum3A = arith.constant dense<0.000000e+00> : vector<64xf32>
    %reduce_sum3A_6 = vector.multi_reduction <add>, %add3A_5, %reduce_sum3A [1] : vector<64x10000xf32> to vector<64xf32>
    %broadcast_in_dim3A = vector.shape_cast %reduce_sum3A_6 : vector<64xf32> to vector<64x1xf32>
    %div3A = arith.constant 1.000000e+04 : f32
    %div3A_7 = vector.broadcast %div3A : f32 to vector<64x1xf32>
    %div3A_8 = arith.divf %broadcast_in_dim3A, %div3A_7 : vector<64x1xf32>
    %sub3A = vector.broadcast %div3A_8 : vector<64x1xf32> to vector<64x10000xf32>
    %sub3A_9 = arith.subf %add3A_5, %sub3A : vector<64x10000xf32>
    %integer_pow3A = arith.mulf %sub3A_9, %sub3A_9 : vector<64x10000xf32>
    %reduce_sum3A_10 = arith.constant dense<0.000000e+00> : vector<64xf32>
    %reduce_sum3A_11 = vector.multi_reduction <add>, %integer_pow3A, %reduce_sum3A_10 [1] : vector<64x10000xf32> to vector<64xf32>
    %broadcast_in_dim3A_12 = vector.shape_cast %reduce_sum3A_11 : vector<64xf32> to vector<64x1xf32>
    %div3A_13 = arith.constant 1.000000e+04 : f32
    %div3A_14 = vector.broadcast %div3A_13 : f32 to vector<64x1xf32>
    %div3A_15 = arith.divf %broadcast_in_dim3A_12, %div3A_14 : vector<64x1xf32>
    %sub3A_16 = vector.broadcast %div3A_8 : vector<64x1xf32> to vector<64x10000xf32>
    %sub3A_17 = arith.subf %add3A_5, %sub3A_16 : vector<64x10000xf32>
    %add3A_18 = arith.constant 9.99999974E-6 : f32
    %add3A_19 = vector.broadcast %add3A_18 : f32 to vector<64x1xf32>
    %add3A_20 = arith.addf %div3A_15, %add3A_19 : vector<64x1xf32>
    %rsqrt3A = math.rsqrt %add3A_20 : vector<64x1xf32>
    %mul3A = vector.broadcast %rsqrt3A : vector<64x1xf32> to vector<64x10000xf32>
    %mul3A_21 = arith.mulf %sub3A_17, %mul3A : vector<64x10000xf32>
    %get3A_22 = arith.constant 0 : index
    %get3A_23 = arith.constant 0 : index
    %get3A_24 = vector.load %arg2[%get3A_22, %get3A_23] : memref<64x1xf32, #tpu.memory_space<vmem>>, vector<64x1xf32>
    %mul3A_25 = vector.broadcast %get3A_24 : vector<64x1xf32> to vector<64x10000xf32>
    %mul3A_26 = arith.mulf %mul3A_21, %mul3A_25 : vector<64x10000xf32>
    %get3A_27 = arith.constant 0 : index
    %get3A_28 = arith.constant 0 : index
    %get3A_29 = vector.load %arg3[%get3A_27, %get3A_28] : memref<64x1xf32, #tpu.memory_space<vmem>>, vector<64x1xf32>
    %add3A_30 = vector.broadcast %get3A_29 : vector<64x1xf32> to vector<64x10000xf32>
    %add3A_31 = arith.addf %mul3A_26, %add3A_30 : vector<64x10000xf32>
    %max3A = arith.constant 0.000000e+00 : f32
    %max3A_32 = vector.broadcast %max3A : f32 to vector<64x10000xf32>
    %max3A_33 = arith.maximumf %add3A_31, %max3A_32 : vector<64x10000xf32>
    %get3A_34 = arith.constant 0 : index
    %get3A_35 = arith.constant 0 : index
    %get3A_36 = vector.load %arg4[%get3A_34, %get3A_35] : memref<64x128xf32, #tpu.memory_space<vmem>>, vector<64x128xf32>
    %dot_general3A = arith.constant dense<0.000000e+00> : vector<10000x128xf32>
    %dot_general3A_37 = tpu.matmul %max3A_33, %get3A_36, %dot_general3A {dimension_numbers = #tpu.dot_dimension_numbers<[0], [0], [1], [1], [0, 1, 1, 1], [], []>, precision = #tpu.contract_precision<fp32>, transpose_lhs_hint = false} : vector<64x10000xf32>, vector<64x128xf32>, vector<10000x128xf32> -> vector<10000x128xf32>
    %get3A_38 = arith.constant 0 : index
    %get3A_39 = arith.constant 0 : index
    %get3A_40 = vector.load %arg5[%get3A_38, %get3A_39] : memref<1x128xf32, #tpu.memory_space<vmem>>, vector<1x128xf32>
    %add3A_41 = vector.broadcast %get3A_40 : vector<1x128xf32> to vector<10000x128xf32>
    %add3A_42 = arith.addf %dot_general3A_37, %add3A_41 : vector<10000x128xf32>
    %max3A_43 = arith.constant 0.000000e+00 : f32
    %max3A_44 = vector.broadcast %max3A_43 : f32 to vector<10000x128xf32>
    %max3A_45 = arith.maximumf %add3A_42, %max3A_44 : vector<10000x128xf32>
    %swap3A = arith.constant 0 : index
    %swap3A_46 = arith.constant 0 : index
    %swap3A_47 = vector.load %arg6[%swap3A, %swap3A_46] : memref<10000x128xf32, #tpu.memory_space<vmem>>, vector<10000x128xf32>
    tpu.vector_store %arg6[%swap3A, %swap3A_46], %max3A_45 {strides = array<i32>} : memref<10000x128xf32, #tpu.memory_space<vmem>>, vector<10000x128xf32>,
    %reduce_sum3A_48 = arith.constant dense<0.000000e+00> : vector<128xf32>
    %reduce_sum3A_49 = vector.multi_reduction <add>, %max3A_45, %reduce_sum3A_48 [0] : vector<10000x128xf32> to vector<128xf32>
    %broadcast_in_dim3A_50 = vector.shape_cast %reduce_sum3A_49 : vector<128xf32> to vector<1x128xf32>
    %div3A_51 = arith.constant 1.000000e+04 : f32
    %div3A_52 = vector.broadcast %div3A_51 : f32 to vector<1x128xf32>
    %div3A_53 = arith.divf %broadcast_in_dim3A_50, %div3A_52 : vector<1x128xf32>
    %swap3A_54 = arith.constant 0 : index
    %swap3A_55 = arith.constant 0 : index
    %swap3A_56 = vector.load %arg7[%swap3A_54, %swap3A_55] : memref<1x128xf32, #tpu.memory_space<vmem>>, vector<1x128xf32>
    tpu.vector_store %arg7[%swap3A_54, %swap3A_55], %div3A_53 {strides = array<i32>} : memref<1x128xf32, #tpu.memory_space<vmem>>, vector<1x128xf32>,
    return
  }
}

</mosaic_0001>

<sc_bundles>
// kernel: kernel.10.cloned.1.call-start
scs
__scs_entry_jumppad:
0x0: {  	(pc) =	sbr.rel $0x88, $3  }
0x1: {  	(tag) =	ssettag $0x0;
	lr =	simm.s32 $0x1  }
0x2: {  	[smem:$0x3F93] =	sst lr;
	_ =	strace $0xD0000000  }
0x3: {  	_ = 	snop  }
0x4: {  	_ = 	snop  }
0x5: {  	_ = 	snop  }
0x6: {  	_ = 	snop  }
0x7: {  	_ = 	snop  }
__scs_overlays_trampoline_lowered:
0x8: {  	[smem:$0x3FA2] =	sst s0  }
0x9: {  	[smem:$0x3FA3] =	sst s1  }
0xa: {  	[smem:$0x3FA4] =	sst s2  }
0xb: {  	[smem:$0x3FA5] =	sst s3  }
0xc: {  	[smem:$0x3FA6] =	sst s4  }
0xd: {  	[smem:$0x3FA7] =	sst s5  }
0xe: {  	[smem:$0x3FA8] =	sst s6  }
0xf: {  	[smem:$0x3FA9] =	sst s7  }
0x10: {  	[smem:$0x3FAA] =	sst s8  }
0x11: {  	[smem:$0x3FAB] =	sst s9;
	s0 =	simm.s32 @!p0 $0x0  }
0x12: {  	s1 =	sld [smem:$0x3F91];
	s0 =	simm.s32 @p0 $0x1  }
0x13: {  	[smem:$0x3FAC] =	sst s0;
	s0 =	simm.s32 @!p1 $0x0  }
0x14: {  	s2 =	sld [smem:$0x3F90];
	s0 =	simm.s32 @p1 $0x1  }
0x15: {  	[smem:$0x3FAD] =	sst s0;
	s0 =	simm.s32 @!p2 $0x0  }
0x16: {  	s3 =	sld [smem:$0x3FDB];
	s0 =	simm.s32 @p2 $0x1  }
0x17: {  	s4 =	simm.s32 $0x1BF5;
	[smem:$0x3FAF] =	sst s0  }
0x18: {  	s0 =	sld [smem:$0x3F92];
	_ =	swait.ge [sflag:s4], $0x0  }
0x19: {  	s7 =	sld [smem:$0x3F93]  }
0x1a: {  	s8 =	sadd.s32 $0xFFFFE003, lr  }
0x1b: {  	s9 =	sadd.s32 $0xFFFFFEF7, lr;
	s5 =	simm.s32 $0xFFFFFFFF;
	p2 =	slt.u32 s8, $0xFFFFF086  }
0x1c: {  	p1 =	slt.u32 s9, $0xF7A;
	s5 =	simm.s32 @!p2 $0x0  }
0x1d: {  	s5 =	simm.s32 @p1 $0x1;
	p0 =	seq.s32 s7, s2  }
0x1e: {  	s7 =	smul.u32 @!p0 $0xF7A, s2;
	p2 =	seq.s32 @!p0 s5, $0x0  }
0x1f: {  	s9 =	smul.u32 $0xF7A, s1;
	s8 =	simm.s32 @!p0 $0x1BF5;
	p2 =	por !p2, p0  }
0x20: {  	[sflag:s8] =	ssyncset.s32 @!p0 $0xFFFFF086;
	s6 =	sadd.s32 @!p0 s3, s7;
	s7 =	simm.s32 @!p0 $0x108  }
0x21: {  	s3 =	sadd.s32 s3, s9;
	s6 =	sadd.s32 @!p0 $0x88, s6;
	s7 =	simm.s32 @p2 $0x1082  }
0x22: {  	[simem:s7], [sflag:s8] =	dma.local @!p0 [hbm:s6], $0xF7A  }
0x23: {  	s9 =	sor.u32 $0xD0000000, s2;
	s6 =	simm.s32 $0x108;
	_ =	swait.ge @!p0 [sflag:s8], $0x0  }
0x24: {  	s3 =	sadd.s32 $0x88, s3;
	s6 =	simm.s32 @!p1 $0x1082;
	[sflag:s4] =	ssyncset.s32 $0xFFFFF086  }
0x25: {  	[simem:s6], [sflag:s4] =	dma.local [hbm:s3], $0xF7A  }
0x26: {  	[smem:$0x3F93] =	sst s1;
	(tag) =	ssettag s2;
	_ =	strace s9  }
0x27: {  	s1 =	sld [smem:$0x3FA3]  }
0x28: {  	s2 =	sld [smem:$0x3FA4]  }
0x29: {  	s4 =	sld [smem:$0x3FA6]  }
0x2a: {  	p0 =	seq.s32 s5, $0x0;
	s5 =	sld [smem:$0x3FA7]  }
0x2b: {  	s6 =	sld [smem:$0x3FA8]  }
0x2c: {  	s7 =	sld [smem:$0x3FA9]  }
0x2d: {  	s3 =	simm.s32 $0x108;
	s8 =	sld [smem:$0x3FAA]  }
0x2e: {  	s3 =	simm.s32 @!p0 $0x1082;
	s9 =	sld [smem:$0x3FAB]  }
0x2f: {  	lr =	sadd.s32 s0, s3;
	s0 =	sld [smem:$0x3FA2]  }
0x30: {  	s3 =	sld [smem:$0x3FA5]  }
0x31: {  	[smem:$0x3FAE] =	sst s10  }
0x32: {  	s10 =	sld [smem:$0x3FAC];
	_ =	sdelay $0x3  }
0x33: {  	p0 =	seq.s32 s10, $0x1;
	s10 =	sld [smem:$0x3FAE];
	_ =	sdelay $0x3  }
0x34: {  	[smem:$0x3FAE] =	sst s10  }
0x35: {  	s10 =	sld [smem:$0x3FAD];
	_ =	sdelay $0x3  }
0x36: {  	p1 =	seq.s32 s10, $0x1;
	s10 =	sld [smem:$0x3FAE];
	_ =	sdelay $0x3  }
0x37: {  	[smem:$0x3FAE] =	sst s10  }
0x38: {  	s10 =	sld [smem:$0x3FAF]  }
0x39: {  	_ = 	snop;
	(pc) =	sbr.ind lr, $3  }
0x3a: {  	_ = 	snop  }
0x3b: {  	_ = 	snop  }
0x3c: {  	p2 =	seq.s32 s10, $0x1;
	s10 =	sld [smem:$0x3FAE]  }
0x3d: {  	_ =	shalt  }
0x3e: {  	_ =	shalt  }
0x3f: {  	_ =	shalt  }
0x40: {  	_ =	shalt  }
0x41: {  	_ =	shalt  }
0x42: {  	_ =	shalt  }
0x43: {  	_ =	shalt  }
0x44: {  	_ =	shalt  }
0x45: {  	_ =	shalt  }
0x46: {  	_ =	shalt  }
0x47: {  	_ =	shalt  }
0x48: {  	_ =	shalt  }
0x49: {  	_ =	shalt  }
0x4a: {  	_ =	shalt  }
0x4b: {  	_ =	shalt  }
0x4c: {  	_ =	shalt  }
0x4d: {  	_ =	shalt  }
0x4e: {  	_ =	shalt  }
0x4f: {  	_ =	shalt  }
0x50: {  	_ =	shalt  }
0x51: {  	_ =	shalt  }
0x52: {  	_ =	shalt  }
0x53: {  	_ =	shalt  }
0x54: {  	_ =	shalt  }
0x55: {  	_ =	shalt  }
0x56: {  	_ =	shalt  }
0x57: {  	_ =	shalt  }
0x58: {  	_ =	shalt  }
0x59: {  	_ =	shalt  }
0x5a: {  	_ =	shalt  }
0x5b: {  	_ =	shalt  }
0x5c: {  	_ =	shalt  }
0x5d: {  	_ =	shalt  }
0x5e: {  	_ =	shalt  }
0x5f: {  	_ =	shalt  }
0x60: {  	_ =	shalt  }
0x61: {  	_ =	shalt  }
0x62: {  	_ =	shalt  }
0x63: {  	_ =	shalt  }
0x64: {  	_ =	shalt  }
0x65: {  	_ =	shalt  }
0x66: {  	_ =	shalt  }
0x67: {  	_ =	shalt  }
0x68: {  	_ =	shalt  }
0x69: {  	_ =	shalt  }
0x6a: {  	_ =	shalt  }
0x6b: {  	_ =	shalt  }
0x6c: {  	_ =	shalt  }
0x6d: {  	_ =	shalt  }
0x6e: {  	_ =	shalt  }
0x6f: {  	_ =	shalt  }
0x70: {  	_ =	shalt  }
0x71: {  	_ =	shalt  }
0x72: {  	_ =	shalt  }
0x73: {  	_ =	shalt  }
0x74: {  	_ =	shalt  }
0x75: {  	_ =	shalt  }
0x76: {  	_ =	shalt  }
0x77: {  	_ =	shalt  }
0x78: {  	_ =	shalt  }
0x79: {  	_ =	shalt  }
0x7a: {  	_ =	shalt  }
0x7b: {  	_ =	shalt  }
0x7c: {  	_ =	shalt  }
0x7d: {  	_ =	shalt  }
0x7e: {  	_ =	shalt  }
0x7f: {  	_ =	shalt  }
0x80: {  	_ =	shalt  }
0x81: {  	_ =	shalt  }
0x82: {  	_ =	shalt  }
0x83: {  	_ =	shalt  }
0x84: {  	_ =	shalt  }
0x85: {  	_ =	shalt  }
0x86: {  	_ =	shalt  }
0x87: {  	_ =	shalt  }
.Lfunc_end0:
.L_simem_size_0:
called_computation.1_lowered:
.L_overlay_start_0:
0x88: {  	s2 =	sld [smem:$0x3FD9]  }
0x89: {  	s3 =	sld [smem:$0x3FFE];
	_ =	sdelay $0x1  }
0x8a: {  	s1 =	srdreg.scid  }
0x8b: {  	s0 =	sand.u32 $0x1, s1  }
0x8c: {  	s14 =	sshll.u32 s0, $0xA;
	s2 =	sadd.s32 s3, s2  }
0x8d: {  	s2 =	sadd.s32 s2, s14  }
0x8e: {  	[smem:$0x3FBA] =	sst s2  }
0x8f: {  	_ = 	snop  }
0x90: {  	s2 =	sld [smem:$0x3FD0];
	_ =	sdelay $0x2  }
0x91: {  	s15 =	simm.s32 $0xA;
	s4 =	simm.s32 $0x10  }
0x92: {  	[smem:s4], [sflag:s15] =	dma.local [hbm:s2], $0x1  }
0x93: {  	_ =	swait.eq [sflag:s15], $0x1  }
0x94: {  	[sflag:s15] =	ssyncset.done $0x0  }
0x95: {  	[sflag:s15] =	ssyncadd.s32 $0xFFFFFFFF  }
0x96: {  	s16 =	sld [smem:$0x10];
	(tm) =	ssettm $0x1  }
0x97: {  	s17 =	sld [smem:$0x3FFB];
	_ =	sdelay $0x3  }
0x98: {  	_ =	strace s17  }
0x99: {  	s3 =	sld [smem:$0x3FFC];
	_ =	sdelay $0x3  }
0x9a: {  	_ =	strace s3  }
0x9b: {  	s3 =	sld [smem:$0x3FFD];
	_ =	sdelay $0x3  }
0x9c: {  	_ =	strace s3  }
0x9d: {  	_ =	strace $0x8FFFFFFF  }
0x9e: {  	s18 =	sld [smem:$0x3FDB];
	_ =	sdelay $0x1  }
0x9f: {  	s19 =	simm.s32 $_scs_section_size  }
0xa0: {  	s5 =	simm.s32 $_size__tile_overlayer_lowered;
	s6 =	simm.s32 $_tile_overlayer_lowered  }
0xa1: {  	s22 =	simm.s32 $0x1BFF;
	s21 =	sshll.u32 s6, $0x1;
	s3 =	sadd.s32 s19, s18  }
0xa2: {  	s7 =	simm.s32 $0x0;
	s20 =	sshll.u32 s5, $0x1;
	s5 =	sadd.s32 s21, s3  }
0xa3: {  	[timem:s7], [sflag:s22] =	dma.local [hbm:s5], s20  }
0xa4: {  	_ =	swait.ge [sflag:s22], s20  }
0xa5: {  	s4 =	ssub.s32 $0x0, s20;
	[sflag:s22] =	ssyncset.done $0x0  }
0xa6: {  	[sflag:s22] =	ssyncadd.s32 s4;
	_ =	sdelay $0x1  }
0xa7: {  	s23 =	simm.s32 $0x1B8B  }
0xa8: {  	_ =	swait.ge [sflag:s23], $0x1  }
0xa9: {  	[sflag:s23] =	ssyncset.done $0x0  }
0xaa: {  	s25 =	simm.s32 $0x1B8E;
	s24 =	sld [smem:$0x3FFE];
	[sflag:s23] =	ssyncadd.s32 $0xFFFFFFFF  }
0xab: {  	s26 =	simm.s32 $execute0_lowered;
	[smem:$0x3FD2] =	sst s25  }
0xac: {  	s5 =	sshll.u32 s26, $0x1;
	_ =	strace $0x80000049;
	[dreg:$0x1] =	wrdreg $0xFFFFFFFF  }
0xad: {  	s28 =	simm.s32 $_size_execute0_lowered;
	s3 =	sadd.s32 s3, s5;
	[dreg:$0x0] =	wrdreg $0x0  }
0xae: {  	s5 =	sshll.u32 s28, $0x1;
	[dreg:$0x2] =	wrdreg s3  }
0xaf: {  	[dreg:$0x3] =	wrdreg s5  }
0xb0: {  	[dreg:$0x4] =	wrdreg $0xC0  }
0xb1: {  	_ =	task [dreg:s7], $0x5FFFF  }
0xb2: {  	[dreg:$0x1] =	wrdreg $0xFFFFFFFF  }
0xb3: {  	[dreg:$0x0] =	wrdreg $0x60  }
0xb4: {  	[dreg:$0x2] =	wrdreg s16  }
0xb5: {  	[dreg:$0x3] =	wrdreg s24  }
0xb6: {  	[dreg:$0x4] =	wrdreg $0x9  }
0xb7: {  	_ =	task.clear_ibuf [dreg:s7], $0x5FFFF;
	_ =	strace $0x90000049  }
0xb8: {  	s29 =	simm.s32 $0x9;
	_ =	strace $0x8000004B  }
0xb9: {  	_ =	swait.ge [sflag:s29], $0x1  }
0xba: {  	[sflag:s29] =	ssyncadd.s32 $0xFFFFFFFF  }
0xbb: {  	_ =	strace $0x9000004B  }
0xbc: {  	_ =	sfence  }
0xbd: {  	s30 =	sld [smem:$0x0];
	_ =	sdelay $0x2  }
0xbe: {  	s31 =	sshll.u32 s1, $0xD;
	s1 =	sshrl.u32 s1, $0x2  }
0xbf: {  	s3 =	sand.u32 $0x4000, s31;
	s1 =	sadd.s32 s1, s30  }
0xc0: {  	s0 =	sor.u32 s3, s0;
	s1 =	sshll.u32 s1, $0x11  }
0xc1: {  	s0 =	sor.u32 s1, s0  }
0xc2: {  	s0 =	sadd.s32 $0x8F2B, s0  }
0xc3: {  	[sflag:s0] =	ssyncadd.remote.s32 $0x1  }
0xc4: {  	_ =	sfence.sel $0xFFFF  }
0xc5: {  	[dreg:$0x0] =	wrdreg $0xFFFFFFFF;
	(pc) =	sbr.abs _section_cstart, $3  }
0xc6: {  	[dreg:$0x1] =	wrdreg $0xFFFFFFFF  }
0xc7: {  	_ =	task.clear_ibuf [dreg:s7], $0x2FFFF;
	_ =	strace $0x9FFFFFFF  }
0xc8: {  	(tm) =	ssettm $0x7FFFFFFF  }
0xc9: {  	_ =	shalt  }
tec
execute0_lowered:
.L_overlay_start_1:
0x0: {  	(tag) =	ssettag $0x1  }
0x1: {  	s5 =	rddreg [dreg:$0x0]  }
0x2: {  	s6 =	rddreg [dreg:$0x1]  }
0x3: {  	s0 =	rddreg [dreg:$0x2];
	s3 =	srdreg.scid  }
0x4: {  	s1 =	stileid.u32;
	s2 =	simm.s32 $0x0;
	s10 =	simm.s32 $0x2  }
0x5: {  	s11 =	simm.s32 $0x9D00;
	s12 =	simm.s32 $0xB600;
	s13 =	simm.s32 $0xCF00  }
0x6: {  	s14 =	simm.s32 $0xE800;
	s15 =	simm.s32 $0x3;
	s16 =	simm.s32 $0x4  }
0x7: {  	s17 =	simm.s32 $0x0;
	s3 =	sand.u32 $0x1, s3;
	s4 =	sshll.u32 s1, $0x1  }
0x8: {  	[smem:$0x7FF] =	sst s2;
	s4 =	sor.u32 s3, s4;
	s8 =	ssub.s32 $0x2, s3  }
0x9: {  	_ =	strace $0x8000004A;
	s7 =	smul.u32 $0x9C4, s4;
	s9 =	sshrl.u32 s8, $0x1  }
0xa: {  	s3 =	sadd.s32 $0xB600, s6;
	s4 =	sadd.s32 $0x1800, s6;
	s8 =	ssub.s32 s8, s9  }
0xb: {  	s9 =	simm.s32 $0x1;
	s6 =	sadd.s32 s7, s6;
	s5 =	sadd.s32 s5, s7  }
0xc: {  	s7 =	smax.u32 s8, $0x1;
	s8 =	simm.s32 $0x4E80;
	s6 =	sadd.s32 $0x15400, s6  }
.LBB2_1:
0xd: {  	[tilespmem:s2], [sflag:$0x1] =	stream.linear.gather [hbm4b:s5+s2], $0x4E20, $0x38;
	[tilespmem:$0x10100] =	vst v63  }
0xe: {  	_ = 	snop  }
0xf: {  	[tilespmem:s8], [sflag:$0x2] =	stream.linear.gather [hbm4b:s5+s2], $0x4E20, $0x38;
	[tilespmem:$0x10100] =	vst v63  }
0x10: {  	_ =	swait.ge [sflag:s9], $0x4E20  }
0x11: {  	[sflag:s9] =	ssyncset.done $0x0  }
0x12: {  	[sflag:s9] =	ssyncadd.s32 $0xFFFFB1E0  }
0x13: {  	_ =	swait.ge [sflag:s10], $0x4E20  }
0x14: {  	[sflag:s10] =	ssyncset.done $0x0  }
0x15: {  	[sflag:s10] =	ssyncadd.s32 $0xFFFFB1E0  }
0x16: {  	[tilespmem:s11], [sflag:$0x1] =	stream.linear.gather [hbm4b:s3+s2], $0x1900, $0x38;
	[tilespmem:$0x10100] =	vst v63  }
0x17: {  	s18 =	simm.s32 $0x0  }
0x18: {  	[tilespmem:s12], [sflag:$0x2] =	stream.linear.gather [hbm4b:s4+s2], $0x1900, $0x38;
	[tilespmem:$0x10100] =	vst v63  }
.LBB2_2:
0x19: {  	_ =	swait.ge [sflag:s9], $0x1900  }
0x1a: {  	s19 =	smul.u32 $0x3200, s18;
	[sflag:s9] =	ssyncset.done $0x0  }
0x1b: {  	[sflag:s9] =	ssyncadd.s32 $0xFFFFE700  }
0x1c: {  	s20 =	sshrl.u32 s19, $0x3;
	_ =	swait.ge [sflag:s10], $0x1900  }
0x1d: {  	s20 =	sadd.s32 $0x320, s20;
	[sflag:s10] =	ssyncset.done $0x0  }
0x1e: {  	s21 =	sadd.s32 s3, s20;
	[sflag:s10] =	ssyncadd.s32 $0xFFFFE700  }
0x1f: {  	[tilespmem:s13], [sflag:$0x3] =	stream.linear.gather [hbm4b:s21+s2], $0x1900, $0x38;
	[tilespmem:$0x10100] =	vst v63  }
0x20: {  	s31 =	simm.s32 $0x9D40;
	s20 =	sadd.s32 s4, s20  }
0x21: {  	[tilespmem:s14], [sflag:$0x4] =	stream.linear.gather [hbm4b:s20+s2], $0x1900, $0x38;
	[tilespmem:$0x10100] =	vst v63  }
0x22: {  	v0 =	vld [tilespmem:s31+$0x30]  }
0x23: {  	v1 =	vld [tilespmem:s31+$0xFFFFFFD0]  }
0x24: {  	v2 =	vld [tilespmem:s31+$0xFFFFFFE0]  }
0x25: {  	v3 =	vld [tilespmem:s31+$0xFFFFFFF0]  }
0x26: {  	v4 =	vld [tilespmem:s31+$0x0]  }
0x27: {  	s20 =	simm.s32 $0xB640;
	v5 =	vld [tilespmem:s31+$0x10]  }
0x28: {  	v6 =	vld [tilespmem:s20+$0x30]  }
0x29: {  	v7 =	vld [tilespmem:s31+$0x20]  }
0x2a: {  	v9 =	vld [tilespmem:s31+$0xFFFFFFC0]  }
0x2b: {  	v16 =	vld [tilespmem:s20+$0xFFFFFFC0]  }
0x2c: {  	v17 =	vld [tilespmem:s20+$0xFFFFFFD0]  }
0x2d: {  	v57 =	vld [tilespmem:s20+$0xFFFFFFE0]  }
0x2e: {  	v58 =	vld [tilespmem:s20+$0xFFFFFFF0]  }
0x2f: {  	v18 =	vld [tilespmem:s20+$0x0]  }
0x30: {  	v19 =	vld [tilespmem:s20+$0x10]  }
0x31: {  	v20 =	vld [tilespmem:s20+$0x20]  }
0x32: {  	v8 =	vld.idx.msk [tilespmem:v0+s2+$0x0], $0xffff  }
0x33: {  	v10 =	vld.idx.msk [tilespmem:v1+s2+$0x0], $0xffff  }
0x34: {  	v11 =	vld.idx.msk [tilespmem:v2+s2+$0x0], $0xffff  }
0x35: {  	v12 =	vld.idx.msk [tilespmem:v3+s2+$0x0], $0xffff  }
0x36: {  	v14 =	vld.idx.msk [tilespmem:v9+s2+$0x0], $0xffff  }
0x37: {  	v13 =	vld.idx.msk [tilespmem:v4+s2+$0x0], $0xffff  }
0x38: {  	v56 =	vld.idx.msk [tilespmem:v5+s2+$0x0], $0xffff  }
0x39: {  	v15 =	vld.idx.msk [tilespmem:v7+s2+$0x0], $0xffff  }
0x3a: {  	[tilespmem:v6+s8+$0x0] =	vst.idx.add.f32.msk $0xffff, v8  }
0x3b: {  	[tilespmem:v16+s8+$0x0] =	vst.idx.add.f32.msk $0xffff, v14  }
0x3c: {  	[tilespmem:v17+s8+$0x0] =	vst.idx.add.f32.msk $0xffff, v10  }
0x3d: {  	v0 =	vadd.s32 $0x2710, v0;
	[tilespmem:v57+s8+$0x0] =	vst.idx.add.f32.msk $0xffff, v11  }
0x3e: {  	v9 =	vadd.s32 $0x2710, v9;
	[tilespmem:v58+s8+$0x0] =	vst.idx.add.f32.msk $0xffff, v12  }
0x3f: {  	v1 =	vadd.s32 $0x2710, v1;
	[tilespmem:v18+s8+$0x0] =	vst.idx.add.f32.msk $0xffff, v13  }
0x40: {  	v2 =	vadd.s32 $0x2710, v2;
	[tilespmem:v19+s8+$0x0] =	vst.idx.add.f32.msk $0xffff, v56  }
0x41: {  	v3 =	vadd.s32 $0x2710, v3;
	[tilespmem:v20+s8+$0x0] =	vst.idx.add.f32.msk $0xffff, v15  }
0x42: {  	v4 =	vadd.s32 $0x2710, v4;
	v0 =	vld.idx.msk [tilespmem:v0+s2+$0x0], $0xffff  }
0x43: {  	v5 =	vadd.s32 $0x2710, v5;
	v9 =	vld.idx.msk [tilespmem:v9+s2+$0x0], $0xffff  }
0x44: {  	v7 =	vadd.s32 $0x2710, v7;
	v1 =	vld.idx.msk [tilespmem:v1+s2+$0x0], $0xffff  }
0x45: {  	v6 =	vadd.s32 $0x2710, v6;
	v2 =	vld.idx.msk [tilespmem:v2+s2+$0x0], $0xffff  }
0x46: {  	v59 =	vadd.s32 $0x2710, v16;
	v3 =	vld.idx.msk [tilespmem:v3+s2+$0x0], $0xffff  }
0x47: {  	v60 =	vadd.s32 $0x2710, v17;
	v4 =	vld.idx.msk [tilespmem:v4+s2+$0x0], $0xffff  }
0x48: {  	v61 =	vadd.s32 $0x2710, v18;
	v5 =	vld.idx.msk [tilespmem:v5+s2+$0x0], $0xffff  }
0x49: {  	v62 =	vadd.s32 $0x2710, v19;
	v7 =	vld.idx.msk [tilespmem:v7+s2+$0x0], $0xffff  }
0x4a: {  	v63 =	vadd.s32 $0x2710, v20;
	[tilespmem:v6+s8+$0x0] =	vst.idx.add.f32.msk $0xffff, v0  }
0x4b: {  	v0 =	vadd.s32 $0x2710, v57;
	[tilespmem:v59+s8+$0x0] =	vst.idx.add.f32.msk $0xffff, v9  }
0x4c: {  	v6 =	vadd.s32 $0x2710, v58;
	[tilespmem:v60+s8+$0x0] =	vst.idx.add.f32.msk $0xffff, v1  }
0x4d: {  	[tilespmem:v61+s8+$0x0] =	vst.idx.add.f32.msk $0xffff, v4  }
0x4e: {  	[tilespmem:v62+s8+$0x0] =	vst.idx.add.f32.msk $0xffff, v5  }
0x4f: {  	[tilespmem:v63+s8+$0x0] =	vst.idx.add.f32.msk $0xffff, v7  }
0x50: {  	[tilespmem:v0+s8+$0x0] =	vst.idx.add.f32.msk $0xffff, v2  }
0x51: {  	s22 =	simm.s32 $0x9DC0;
	s21 =	simm.s32 $0x0;
	[tilespmem:v6+s8+$0x0] =	vst.idx.add.f32.msk $0xffff, v3  }
.LBB2_3:
0x52: {  	v0 =	vld [tilespmem:s22+$0x30];
	s21 =	sadd.s32 $0x80, s21  }
0x53: {  	v1 =	vld [tilespmem:s22+$0xFFFFFFD0];
	p0 =	slt.u32 s21, $0x1880  }
0x54: {  	v2 =	vld [tilespmem:s22+$0xFFFFFFE0]  }
0x55: {  	v3 =	vld [tilespmem:s22+$0xFFFFFFF0]  }
0x56: {  	v4 =	vld [tilespmem:s22+$0x0]  }
0x57: {  	s20 =	sadd.s32 $0x80, s20;
	v5 =	vld [tilespmem:s22+$0x10]  }
0x58: {  	v6 =	vadd.s32 $0x2710, v1;
	v7 =	vld [tilespmem:s20+$0x30]  }
0x59: {  	v8 =	vadd.s32 $0x2710, v2;
	v9 =	vld [tilespmem:s22+$0x20]  }
0x5a: {  	v10 =	vadd.s32 $0x2710, v3;
	v11 =	vld.idx.msk [tilespmem:v0+s2+$0x0], $0xffff  }
0x5b: {  	v12 =	vld [tilespmem:s22+$0xFFFFFFC0];
	v13 =	vadd.s32 $0x2710, v4  }
0x5c: {  	v0 =	vadd.s32 $0x2710, v0;
	v1 =	vld.idx.msk [tilespmem:v1+s2+$0x0], $0xffff;
	v14 =	vadd.s32 $0x2710, v5  }
0x5d: {  	v2 =	vld.idx.msk [tilespmem:v2+s2+$0x0], $0xffff  }
0x5e: {  	v3 =	vld.idx.msk [tilespmem:v3+s2+$0x0], $0xffff;
	v15 =	vadd.s32 $0x2710, v9  }
0x5f: {  	v4 =	vld.idx.msk [tilespmem:v4+s2+$0x0], $0xffff  }
0x60: {  	v16 =	vadd.s32 $0x2710, v12;
	[tilespmem:v7+s8+$0x0] =	vst.idx.add.f32.msk $0xffff, v11  }
0x61: {  	v0 =	vld.idx.msk [tilespmem:v0+s2+$0x0], $0xffff  }
0x62: {  	v7 =	vadd.s32 $0x2710, v7;
	v5 =	vld.idx.msk [tilespmem:v5+s2+$0x0], $0xffff  }
0x63: {  	v11 =	vld.idx.msk [tilespmem:v12+s2+$0x0], $0xffff  }
0x64: {  	v9 =	vld.idx.msk [tilespmem:v9+s2+$0x0], $0xffff  }
0x65: {  	v12 =	vld [tilespmem:s20+$0xFFFFFFC0]  }
0x66: {  	v17 =	vld [tilespmem:s20+$0xFFFFFFD0]  }
0x67: {  	[tilespmem:v7+s8+$0x0] =	vst.idx.add.f32.msk $0xffff, v0  }
0x68: {  	v0 =	vld [tilespmem:s20+$0xFFFFFFE0]  }
0x69: {  	v7 =	vld [tilespmem:s20+$0xFFFFFFF0]  }
0x6a: {  	v18 =	vadd.s32 $0x2710, v12;
	v19 =	vld [tilespmem:s20+$0x0]  }
0x6b: {  	v20 =	vadd.s32 $0x2710, v17;
	v21 =	vld [tilespmem:s20+$0x10]  }
0x6c: {  	v22 =	vld [tilespmem:s20+$0x20]  }
0x6d: {  	[tilespmem:v12+s8+$0x0] =	vst.idx.add.f32.msk $0xffff, v11;
	v11 =	vadd.s32 $0x2710, v0  }
0x6e: {  	[tilespmem:v17+s8+$0x0] =	vst.idx.add.f32.msk $0xffff, v1;
	v1 =	vadd.s32 $0x2710, v7  }
0x6f: {  	v12 =	vld.idx.msk [tilespmem:v16+s2+$0x0], $0xffff;
	v16 =	vadd.s32 $0x2710, v19  }
0x70: {  	[tilespmem:v0+s8+$0x0] =	vst.idx.add.f32.msk $0xffff, v2;
	v0 =	vadd.s32 $0x2710, v21  }
0x71: {  	[tilespmem:v7+s8+$0x0] =	vst.idx.add.f32.msk $0xffff, v3;
	v2 =	vadd.s32 $0x2710, v22  }
0x72: {  	[tilespmem:v19+s8+$0x0] =	vst.idx.add.f32.msk $0xffff, v4  }
0x73: {  	[tilespmem:v21+s8+$0x0] =	vst.idx.add.f32.msk $0xffff, v5  }
0x74: {  	[tilespmem:v22+s8+$0x0] =	vst.idx.add.f32.msk $0xffff, v9  }
0x75: {  	v3 =	vld.idx.msk [tilespmem:v6+s2+$0x0], $0xffff  }
0x76: {  	v4 =	vld.idx.msk [tilespmem:v8+s2+$0x0], $0xffff  }
0x77: {  	v5 =	vld.idx.msk [tilespmem:v10+s2+$0x0], $0xffff  }
0x78: {  	v6 =	vld.idx.msk [tilespmem:v13+s2+$0x0], $0xffff  }
0x79: {  	v7 =	vld.idx.msk [tilespmem:v14+s2+$0x0], $0xffff  }
0x7a: {  	v8 =	vld.idx.msk [tilespmem:v15+s2+$0x0], $0xffff  }
0x7b: {  	[tilespmem:v18+s8+$0x0] =	vst.idx.add.f32.msk $0xffff, v12  }
0x7c: {  	[tilespmem:v20+s8+$0x0] =	vst.idx.add.f32.msk $0xffff, v3  }
.Ltmp0:
0x7d: {  	[tilespmem:v11+s8+$0x0] =	vst.idx.add.f32.msk $0xffff, v4;
	(pc) =	sbr.rel @p0 .LBB2_3-.Ltmp0, $4  }
0x7e: {  	[tilespmem:v1+s8+$0x0] =	vst.idx.add.f32.msk $0xffff, v5  }
0x7f: {  	[tilespmem:v16+s8+$0x0] =	vst.idx.add.f32.msk $0xffff, v6  }
0x80: {  	[tilespmem:v0+s8+$0x0] =	vst.idx.add.f32.msk $0xffff, v7  }
0x81: {  	s22 =	sadd.s32 $0x80, s22;
	[tilespmem:v2+s8+$0x0] =	vst.idx.add.f32.msk $0xffff, v8  }
0x82: {  	_ =	swait.ge [sflag:s15], $0x1900  }
0x83: {  	[sflag:s15] =	ssyncset.done $0x0  }
0x84: {  	p0 =	seq.s32 s18, $0x18;
	[sflag:s15] =	ssyncadd.s32 $0xFFFFE700  }
0x85: {  	s19 =	sshrl.u32 @!p0 s19, $0x3;
	_ =	swait.ge [sflag:s16], $0x1900  }
0x86: {  	s21 =	simm.s32 @!p0 $0x0;
	s19 =	sadd.s32 @!p0 $0x640, s19;
	[sflag:s16] =	ssyncset.done $0x0  }
0x87: {  	s22 =	simm.s32 @!p0 $0x9D00;
	s20 =	sadd.s32 @!p0 s3, s19;
	[sflag:s16] =	ssyncadd.s32 $0xFFFFE700  }
0x88: {  	[tilespmem:s22], [sflag:$0x1] =	stream.linear.gather @!p0 [hbm4b:s20+s21], $0x1900, $0x38;
	[tilespmem:$0x10100] =	vst v63  }
0x89: {  	s31 =	simm.s32 $0xCF40;
	s19 =	sadd.s32 @!p0 s4, s19;
	s20 =	simm.s32 @!p0 $0xB600  }
0x8a: {  	[tilespmem:s20], [sflag:$0x2] =	stream.linear.gather @!p0 [hbm4b:s19+s21], $0x1900, $0x38;
	[tilespmem:$0x10100] =	vst v63  }
0x8b: {  	v0 =	vld [tilespmem:s31+$0x30]  }
0x8c: {  	v1 =	vld [tilespmem:s31+$0xFFFFFFD0]  }
0x8d: {  	v2 =	vld [tilespmem:s31+$0xFFFFFFE0]  }
0x8e: {  	v3 =	vld [tilespmem:s31+$0xFFFFFFF0]  }
0x8f: {  	v4 =	vld [tilespmem:s31+$0x0]  }
0x90: {  	s19 =	simm.s32 $0xE840;
	v5 =	vld [tilespmem:s31+$0x10]  }
0x91: {  	v6 =	vld [tilespmem:s19+$0x30]  }
0x92: {  	v7 =	vld [tilespmem:s31+$0x20]  }
0x93: {  	v9 =	vld [tilespmem:s31+$0xFFFFFFC0]  }
0x94: {  	v16 =	vld [tilespmem:s19+$0xFFFFFFC0]  }
0x95: {  	v17 =	vld [tilespmem:s19+$0xFFFFFFD0]  }
0x96: {  	v57 =	vld [tilespmem:s19+$0xFFFFFFE0]  }
0x97: {  	v58 =	vld [tilespmem:s19+$0xFFFFFFF0]  }
0x98: {  	v18 =	vld [tilespmem:s19+$0x0]  }
0x99: {  	v19 =	vld [tilespmem:s19+$0x10]  }
0x9a: {  	v20 =	vld [tilespmem:s19+$0x20]  }
0x9b: {  	v8 =	vld.idx.msk [tilespmem:v0+s2+$0x0], $0xffff  }
0x9c: {  	v10 =	vld.idx.msk [tilespmem:v1+s2+$0x0], $0xffff  }
0x9d: {  	v11 =	vld.idx.msk [tilespmem:v2+s2+$0x0], $0xffff  }
0x9e: {  	v12 =	vld.idx.msk [tilespmem:v3+s2+$0x0], $0xffff  }
0x9f: {  	v14 =	vld.idx.msk [tilespmem:v9+s2+$0x0], $0xffff  }
0xa0: {  	v13 =	vld.idx.msk [tilespmem:v4+s2+$0x0], $0xffff  }
0xa1: {  	v56 =	vld.idx.msk [tilespmem:v5+s2+$0x0], $0xffff  }
0xa2: {  	v15 =	vld.idx.msk [tilespmem:v7+s2+$0x0], $0xffff  }
0xa3: {  	[tilespmem:v6+s8+$0x0] =	vst.idx.add.f32.msk $0xffff, v8  }
0xa4: {  	[tilespmem:v16+s8+$0x0] =	vst.idx.add.f32.msk $0xffff, v14  }
0xa5: {  	[tilespmem:v17+s8+$0x0] =	vst.idx.add.f32.msk $0xffff, v10  }
0xa6: {  	v0 =	vadd.s32 $0x2710, v0;
	[tilespmem:v57+s8+$0x0] =	vst.idx.add.f32.msk $0xffff, v11  }
0xa7: {  	v9 =	vadd.s32 $0x2710, v9;
	[tilespmem:v58+s8+$0x0] =	vst.idx.add.f32.msk $0xffff, v12  }
0xa8: {  	v1 =	vadd.s32 $0x2710, v1;
	[tilespmem:v18+s8+$0x0] =	vst.idx.add.f32.msk $0xffff, v13  }
0xa9: {  	v2 =	vadd.s32 $0x2710, v2;
	[tilespmem:v19+s8+$0x0] =	vst.idx.add.f32.msk $0xffff, v56  }
0xaa: {  	v3 =	vadd.s32 $0x2710, v3;
	[tilespmem:v20+s8+$0x0] =	vst.idx.add.f32.msk $0xffff, v15  }
0xab: {  	v4 =	vadd.s32 $0x2710, v4;
	v0 =	vld.idx.msk [tilespmem:v0+s2+$0x0], $0xffff  }
0xac: {  	v5 =	vadd.s32 $0x2710, v5;
	v9 =	vld.idx.msk [tilespmem:v9+s2+$0x0], $0xffff  }
0xad: {  	v7 =	vadd.s32 $0x2710, v7;
	v1 =	vld.idx.msk [tilespmem:v1+s2+$0x0], $0xffff  }
0xae: {  	v6 =	vadd.s32 $0x2710, v6;
	v2 =	vld.idx.msk [tilespmem:v2+s2+$0x0], $0xffff  }
0xaf: {  	v59 =	vadd.s32 $0x2710, v16;
	v3 =	vld.idx.msk [tilespmem:v3+s2+$0x0], $0xffff  }
0xb0: {  	v60 =	vadd.s32 $0x2710, v17;
	v4 =	vld.idx.msk [tilespmem:v4+s2+$0x0], $0xffff  }
0xb1: {  	v61 =	vadd.s32 $0x2710, v18;
	v5 =	vld.idx.msk [tilespmem:v5+s2+$0x0], $0xffff  }
0xb2: {  	v62 =	vadd.s32 $0x2710, v19;
	v7 =	vld.idx.msk [tilespmem:v7+s2+$0x0], $0xffff  }
0xb3: {  	v63 =	vadd.s32 $0x2710, v20;
	[tilespmem:v6+s8+$0x0] =	vst.idx.add.f32.msk $0xffff, v0  }
0xb4: {  	v0 =	vadd.s32 $0x2710, v57;
	[tilespmem:v59+s8+$0x0] =	vst.idx.add.f32.msk $0xffff, v9  }
0xb5: {  	v6 =	vadd.s32 $0x2710, v58;
	[tilespmem:v60+s8+$0x0] =	vst.idx.add.f32.msk $0xffff, v1  }
0xb6: {  	[tilespmem:v61+s8+$0x0] =	vst.idx.add.f32.msk $0xffff, v4  }
0xb7: {  	[tilespmem:v62+s8+$0x0] =	vst.idx.add.f32.msk $0xffff, v5  }
0xb8: {  	[tilespmem:v63+s8+$0x0] =	vst.idx.add.f32.msk $0xffff, v7  }
0xb9: {  	[tilespmem:v0+s8+$0x0] =	vst.idx.add.f32.msk $0xffff, v2  }
0xba: {  	s20 =	simm.s32 $0x0;
	s21 =	simm.s32 $0xCFC0;
	[tilespmem:v6+s8+$0x0] =	vst.idx.add.f32.msk $0xffff, v3  }
.LBB2_5:
0xbb: {  	v0 =	vld [tilespmem:s21+$0x30];
	s20 =	sadd.s32 $0x80, s20  }
0xbc: {  	v1 =	vld [tilespmem:s21+$0xFFFFFFD0];
	p0 =	slt.u32 s20, $0x1880  }
0xbd: {  	v2 =	vld [tilespmem:s21+$0xFFFFFFE0]  }
0xbe: {  	v3 =	vld [tilespmem:s21+$0xFFFFFFF0]  }
0xbf: {  	v4 =	vld [tilespmem:s21+$0x0]  }
0xc0: {  	s19 =	sadd.s32 $0x80, s19;
	v5 =	vld [tilespmem:s21+$0x10]  }
0xc1: {  	v6 =	vadd.s32 $0x2710, v1;
	v7 =	vld [tilespmem:s19+$0x30]  }
0xc2: {  	v8 =	vadd.s32 $0x2710, v2;
	v9 =	vld [tilespmem:s21+$0x20]  }
0xc3: {  	v10 =	vadd.s32 $0x2710, v3;
	v11 =	vld.idx.msk [tilespmem:v0+s2+$0x0], $0xffff  }
0xc4: {  	v12 =	vld [tilespmem:s21+$0xFFFFFFC0];
	v13 =	vadd.s32 $0x2710, v4  }
0xc5: {  	v0 =	vadd.s32 $0x2710, v0;
	v1 =	vld.idx.msk [tilespmem:v1+s2+$0x0], $0xffff;
	v14 =	vadd.s32 $0x2710, v5  }
0xc6: {  	v2 =	vld.idx.msk [tilespmem:v2+s2+$0x0], $0xffff  }
0xc7: {  	v3 =	vld.idx.msk [tilespmem:v3+s2+$0x0], $0xffff;
	v15 =	vadd.s32 $0x2710, v9  }
0xc8: {  	v4 =	vld.idx.msk [tilespmem:v4+s2+$0x0], $0xffff  }
0xc9: {  	v16 =	vadd.s32 $0x2710, v12;
	[tilespmem:v7+s8+$0x0] =	vst.idx.add.f32.msk $0xffff, v11  }
0xca: {  	v0 =	vld.idx.msk [tilespmem:v0+s2+$0x0], $0xffff  }
0xcb: {  	v7 =	vadd.s32 $0x2710, v7;
	v5 =	vld.idx.msk [tilespmem:v5+s2+$0x0], $0xffff  }
0xcc: {  	v11 =	vld.idx.msk [tilespmem:v12+s2+$0x0], $0xffff  }
0xcd: {  	v9 =	vld.idx.msk [tilespmem:v9+s2+$0x0], $0xffff  }
0xce: {  	v12 =	vld [tilespmem:s19+$0xFFFFFFC0]  }
0xcf: {  	v17 =	vld [tilespmem:s19+$0xFFFFFFD0]  }
0xd0: {  	[tilespmem:v7+s8+$0x0] =	vst.idx.add.f32.msk $0xffff, v0  }
0xd1: {  	v0 =	vld [tilespmem:s19+$0xFFFFFFE0]  }
0xd2: {  	v7 =	vld [tilespmem:s19+$0xFFFFFFF0]  }
0xd3: {  	v18 =	vadd.s32 $0x2710, v12;
	v19 =	vld [tilespmem:s19+$0x0]  }
0xd4: {  	v20 =	vadd.s32 $0x2710, v17;
	v21 =	vld [tilespmem:s19+$0x10]  }
0xd5: {  	v22 =	vld [tilespmem:s19+$0x20]  }
0xd6: {  	[tilespmem:v12+s8+$0x0] =	vst.idx.add.f32.msk $0xffff, v11;
	v11 =	vadd.s32 $0x2710, v0  }
0xd7: {  	[tilespmem:v17+s8+$0x0] =	vst.idx.add.f32.msk $0xffff, v1;
	v1 =	vadd.s32 $0x2710, v7  }
0xd8: {  	v12 =	vld.idx.msk [tilespmem:v16+s2+$0x0], $0xffff;
	v16 =	vadd.s32 $0x2710, v19  }
0xd9: {  	[tilespmem:v0+s8+$0x0] =	vst.idx.add.f32.msk $0xffff, v2;
	v0 =	vadd.s32 $0x2710, v21  }
0xda: {  	[tilespmem:v7+s8+$0x0] =	vst.idx.add.f32.msk $0xffff, v3;
	v2 =	vadd.s32 $0x2710, v22  }
0xdb: {  	[tilespmem:v19+s8+$0x0] =	vst.idx.add.f32.msk $0xffff, v4  }
0xdc: {  	[tilespmem:v21+s8+$0x0] =	vst.idx.add.f32.msk $0xffff, v5  }
0xdd: {  	[tilespmem:v22+s8+$0x0] =	vst.idx.add.f32.msk $0xffff, v9  }
0xde: {  	v3 =	vld.idx.msk [tilespmem:v6+s2+$0x0], $0xffff  }
0xdf: {  	v4 =	vld.idx.msk [tilespmem:v8+s2+$0x0], $0xffff  }
0xe0: {  	v5 =	vld.idx.msk [tilespmem:v10+s2+$0x0], $0xffff  }
0xe1: {  	v6 =	vld.idx.msk [tilespmem:v13+s2+$0x0], $0xffff  }
0xe2: {  	v7 =	vld.idx.msk [tilespmem:v14+s2+$0x0], $0xffff  }
0xe3: {  	v8 =	vld.idx.msk [tilespmem:v15+s2+$0x0], $0xffff  }
0xe4: {  	[tilespmem:v18+s8+$0x0] =	vst.idx.add.f32.msk $0xffff, v12  }
0xe5: {  	[tilespmem:v20+s8+$0x0] =	vst.idx.add.f32.msk $0xffff, v3  }
.Ltmp1:
0xe6: {  	[tilespmem:v11+s8+$0x0] =	vst.idx.add.f32.msk $0xffff, v4;
	(pc) =	sbr.rel @p0 .LBB2_5-.Ltmp1, $4  }
0xe7: {  	[tilespmem:v1+s8+$0x0] =	vst.idx.add.f32.msk $0xffff, v5  }
0xe8: {  	[tilespmem:v16+s8+$0x0] =	vst.idx.add.f32.msk $0xffff, v6  }
0xe9: {  	[tilespmem:v0+s8+$0x0] =	vst.idx.add.f32.msk $0xffff, v7  }
0xea: {  	s21 =	sadd.s32 $0x80, s21;
	[tilespmem:v2+s8+$0x0] =	vst.idx.add.f32.msk $0xffff, v8  }
0xeb: {  	s18 =	sadd.s32 $0x1, s18  }
0xec: {  	p0 =	sne.s32 s18, $0x19  }
.Ltmp2:
0xed: {  	_ = 	snop;
	(pc) =	sbr.rel @p0 .LBB2_2-.Ltmp2, $1  }
0xee: {  	_ =	sdelay $0x3  }
0xef: {  	s17 =	sadd.s32 $0x1, s17  }
0xf0: {  	p0 =	sne.s32 s17, s7  }
.Ltmp3:
0xf1: {  	_ = 	snop;
	(pc) =	sbr.rel @p0 .LBB2_1-.Ltmp3, $4  }
0xf2: {  	[hbm4b:s6+s2] =	stream.linear.scatter [tilespmem:s8], [sflag:$0x1], $0x4E20, $0x38;
	[tilespmem:$0x10100] =	vst v63  }
0xf3: {  	_ =	swait.ge [sflag:s9], $0x4E20  }
0xf4: {  	[sflag:s9] =	ssyncset.done $0x0  }
0xf5: {  	[sflag:s9] =	ssyncadd.s32 $0xFFFFB1E0  }
0xf6: {  	_ =	sfence.sel $0x180000  }
0xf7: {  	[bflag:$0x0] =	sbarrier.arrive $0xFFFF  }
0xf8: {  	p0 =	sne.s32 s1, $0x0;
	_ =	strace $0x9000004A  }
0xf9: {  	s0 =	sadd.s32 @!p0 $0x100000, s0;
	[bflag:$0x2] =	sbarrier.arrive $0xFFFF  }
0xfa: {  	[sflag:s0] =	ssyncadd.tile.s32 @!p0 $0x1;
	_ =	shalt  }
.Lfunc_end2:
_tile_overlayer_lowered:
.L_overlay_start_2:
0xfb: {  	(tag) =	ssettag $0x2  }
0xfc: {  	s0 =	rddreg [dreg:$0x0];
	s2 =	stileid.u32  }
0xfd: {  	s1 =	rddreg [dreg:$0x1];
	p0 =	sne.s32 s2, $0x0  }
0xfe: {  	s3 =	rddreg [dreg:$0x2];
	[bflag:$0x3] =	sbarrier.arrive $0xFFFF;
	s2 =	simm.s32 @!p0 $0x1C05  }
0xff: {  	[timem:s3], [sflag:s2] =	dma.local @!p0 [hbm:s0], s1  }
0x100: {  	s0 =	simm.s32 @!p0 $0x5  }
0x101: {  	_ =	swait.ge @!p0 [sflag:s0], s1  }
0x102: {  	s1 =	ssub.s32 @!p0 $0x0, s1;
	[sflag:s0] =	ssyncset.done @!p0 $0x0  }
0x103: {  	[sflag:s0] =	ssyncadd.s32 @!p0 s1  }
0x104: {  	[bflag:$0x3] =	sbarrier.arrive $0xFFFF  }
0x105: {  	_ =	shalt  }

// kernel: kernel.7.cloned.1.call-start
scs
__scs_entry_jumppad:
0x0: {  	(pc) =	sbr.rel $0x88, $3  }
0x1: {  	(tag) =	ssettag $0x0;
	lr =	simm.s32 $0x1  }
0x2: {  	[smem:$0x3F93] =	sst lr;
	_ =	strace $0xD0000000  }
0x3: {  	_ = 	snop  }
0x4: {  	_ = 	snop  }
0x5: {  	_ = 	snop  }
0x6: {  	_ = 	snop  }
0x7: {  	_ = 	snop  }
__scs_overlays_trampoline_lowered:
0x8: {  	[smem:$0x3FA2] =	sst s0  }
0x9: {  	[smem:$0x3FA3] =	sst s1  }
0xa: {  	[smem:$0x3FA4] =	sst s2  }
0xb: {  	[smem:$0x3FA5] =	sst s3  }
0xc: {  	[smem:$0x3FA6] =	sst s4  }
0xd: {  	[smem:$0x3FA7] =	sst s5  }
0xe: {  	[smem:$0x3FA8] =	sst s6  }
0xf: {  	[smem:$0x3FA9] =	sst s7  }
0x10: {  	[smem:$0x3FAA] =	sst s8  }
0x11: {  	[smem:$0x3FAB] =	sst s9;
	s0 =	simm.s32 @!p0 $0x0  }
0x12: {  	s1 =	sld [smem:$0x3F91];
	s0 =	simm.s32 @p0 $0x1  }
0x13: {  	[smem:$0x3FAC] =	sst s0;
	s0 =	simm.s32 @!p1 $0x0  }
0x14: {  	s2 =	sld [smem:$0x3F90];
	s0 =	simm.s32 @p1 $0x1  }
0x15: {  	[smem:$0x3FAD] =	sst s0;
	s0 =	simm.s32 @!p2 $0x0  }
0x16: {  	s3 =	sld [smem:$0x3FDB];
	s0 =	simm.s32 @p2 $0x1  }
0x17: {  	s4 =	simm.s32 $0x1BF5;
	[smem:$0x3FAF] =	sst s0  }
0x18: {  	s0 =	sld [smem:$0x3F92];
	_ =	swait.ge [sflag:s4], $0x0  }
0x19: {  	s7 =	sld [smem:$0x3F93]  }
0x1a: {  	s8 =	sadd.s32 $0xFFFFE003, lr  }
0x1b: {  	s9 =	sadd.s32 $0xFFFFFEF7, lr;
	s5 =	simm.s32 $0xFFFFFFFF;
	p2 =	slt.u32 s8, $0xFFFFF086  }
0x1c: {  	p1 =	slt.u32 s9, $0xF7A;
	s5 =	simm.s32 @!p2 $0x0  }
0x1d: {  	s5 =	simm.s32 @p1 $0x1;
	p0 =	seq.s32 s7, s2  }
0x1e: {  	s7 =	smul.u32 @!p0 $0xF7A, s2;
	p2 =	seq.s32 @!p0 s5, $0x0  }
0x1f: {  	s9 =	smul.u32 $0xF7A, s1;
	s8 =	simm.s32 @!p0 $0x1BF5;
	p2 =	por !p2, p0  }
0x20: {  	[sflag:s8] =	ssyncset.s32 @!p0 $0xFFFFF086;
	s6 =	sadd.s32 @!p0 s3, s7;
	s7 =	simm.s32 @!p0 $0x108  }
0x21: {  	s3 =	sadd.s32 s3, s9;
	s6 =	sadd.s32 @!p0 $0x88, s6;
	s7 =	simm.s32 @p2 $0x1082  }
0x22: {  	[simem:s7], [sflag:s8] =	dma.local @!p0 [hbm:s6], $0xF7A  }
0x23: {  	s9 =	sor.u32 $0xD0000000, s2;
	s6 =	simm.s32 $0x108;
	_ =	swait.ge @!p0 [sflag:s8], $0x0  }
0x24: {  	s3 =	sadd.s32 $0x88, s3;
	s6 =	simm.s32 @!p1 $0x1082;
	[sflag:s4] =	ssyncset.s32 $0xFFFFF086  }
0x25: {  	[simem:s6], [sflag:s4] =	dma.local [hbm:s3], $0xF7A  }
0x26: {  	[smem:$0x3F93] =	sst s1;
	(tag) =	ssettag s2;
	_ =	strace s9  }
0x27: {  	s1 =	sld [smem:$0x3FA3]  }
0x28: {  	s2 =	sld [smem:$0x3FA4]  }
0x29: {  	s4 =	sld [smem:$0x3FA6]  }
0x2a: {  	p0 =	seq.s32 s5, $0x0;
	s5 =	sld [smem:$0x3FA7]  }
0x2b: {  	s6 =	sld [smem:$0x3FA8]  }
0x2c: {  	s7 =	sld [smem:$0x3FA9]  }
0x2d: {  	s3 =	simm.s32 $0x108;
	s8 =	sld [smem:$0x3FAA]  }
0x2e: {  	s3 =	simm.s32 @!p0 $0x1082;
	s9 =	sld [smem:$0x3FAB]  }
0x2f: {  	lr =	sadd.s32 s0, s3;
	s0 =	sld [smem:$0x3FA2]  }
0x30: {  	s3 =	sld [smem:$0x3FA5]  }
0x31: {  	[smem:$0x3FAE] =	sst s10  }
0x32: {  	s10 =	sld [smem:$0x3FAC];
	_ =	sdelay $0x3  }
0x33: {  	p0 =	seq.s32 s10, $0x1;
	s10 =	sld [smem:$0x3FAE];
	_ =	sdelay $0x3  }
0x34: {  	[smem:$0x3FAE] =	sst s10  }
0x35: {  	s10 =	sld [smem:$0x3FAD];
	_ =	sdelay $0x3  }
0x36: {  	p1 =	seq.s32 s10, $0x1;
	s10 =	sld [smem:$0x3FAE];
	_ =	sdelay $0x3  }
0x37: {  	[smem:$0x3FAE] =	sst s10  }
0x38: {  	s10 =	sld [smem:$0x3FAF]  }
0x39: {  	_ = 	snop;
	(pc) =	sbr.ind lr, $3  }
0x3a: {  	_ = 	snop  }
0x3b: {  	_ = 	snop  }
0x3c: {  	p2 =	seq.s32 s10, $0x1;
	s10 =	sld [smem:$0x3FAE]  }
0x3d: {  	_ =	shalt  }
0x3e: {  	_ =	shalt  }
0x3f: {  	_ =	shalt  }
0x40: {  	_ =	shalt  }
0x41: {  	_ =	shalt  }
0x42: {  	_ =	shalt  }
0x43: {  	_ =	shalt  }
0x44: {  	_ =	shalt  }
0x45: {  	_ =	shalt  }
0x46: {  	_ =	shalt  }
0x47: {  	_ =	shalt  }
0x48: {  	_ =	shalt  }
0x49: {  	_ =	shalt  }
0x4a: {  	_ =	shalt  }
0x4b: {  	_ =	shalt  }
0x4c: {  	_ =	shalt  }
0x4d: {  	_ =	shalt  }
0x4e: {  	_ =	shalt  }
0x4f: {  	_ =	shalt  }
0x50: {  	_ =	shalt  }
0x51: {  	_ =	shalt  }
0x52: {  	_ =	shalt  }
0x53: {  	_ =	shalt  }
0x54: {  	_ =	shalt  }
0x55: {  	_ =	shalt  }
0x56: {  	_ =	shalt  }
0x57: {  	_ =	shalt  }
0x58: {  	_ =	shalt  }
0x59: {  	_ =	shalt  }
0x5a: {  	_ =	shalt  }
0x5b: {  	_ =	shalt  }
0x5c: {  	_ =	shalt  }
0x5d: {  	_ =	shalt  }
0x5e: {  	_ =	shalt  }
0x5f: {  	_ =	shalt  }
0x60: {  	_ =	shalt  }
0x61: {  	_ =	shalt  }
0x62: {  	_ =	shalt  }
0x63: {  	_ =	shalt  }
0x64: {  	_ =	shalt  }
0x65: {  	_ =	shalt  }
0x66: {  	_ =	shalt  }
0x67: {  	_ =	shalt  }
0x68: {  	_ =	shalt  }
0x69: {  	_ =	shalt  }
0x6a: {  	_ =	shalt  }
0x6b: {  	_ =	shalt  }
0x6c: {  	_ =	shalt  }
0x6d: {  	_ =	shalt  }
0x6e: {  	_ =	shalt  }
0x6f: {  	_ =	shalt  }
0x70: {  	_ =	shalt  }
0x71: {  	_ =	shalt  }
0x72: {  	_ =	shalt  }
0x73: {  	_ =	shalt  }
0x74: {  	_ =	shalt  }
0x75: {  	_ =	shalt  }
0x76: {  	_ =	shalt  }
0x77: {  	_ =	shalt  }
0x78: {  	_ =	shalt  }
0x79: {  	_ =	shalt  }
0x7a: {  	_ =	shalt  }
0x7b: {  	_ =	shalt  }
0x7c: {  	_ =	shalt  }
0x7d: {  	_ =	shalt  }
0x7e: {  	_ =	shalt  }
0x7f: {  	_ =	shalt  }
0x80: {  	_ =	shalt  }
0x81: {  	_ =	shalt  }
0x82: {  	_ =	shalt  }
0x83: {  	_ =	shalt  }
0x84: {  	_ =	shalt  }
0x85: {  	_ =	shalt  }
0x86: {  	_ =	shalt  }
0x87: {  	_ =	shalt  }
.Lfunc_end0:
.L_simem_size_0:
called_computation_lowered:
.L_overlay_start_0:
0x88: {  	s2 =	sld [smem:$0x3FD9]  }
0x89: {  	s3 =	sld [smem:$0x3FFE];
	_ =	sdelay $0x1  }
0x8a: {  	s1 =	srdreg.scid  }
0x8b: {  	s0 =	sand.u32 $0x1, s1  }
0x8c: {  	s14 =	sshll.u32 s0, $0xA;
	s2 =	sadd.s32 s3, s2  }
0x8d: {  	s2 =	sadd.s32 s2, s14  }
0x8e: {  	[smem:$0x3FBA] =	sst s2  }
0x8f: {  	_ = 	snop  }
0x90: {  	s2 =	sld [smem:$0x3FD0];
	_ =	sdelay $0x2  }
0x91: {  	s15 =	simm.s32 $0xA;
	s4 =	simm.s32 $0x10  }
0x92: {  	[smem:s4], [sflag:s15] =	dma.local [hbm:s2], $0x1  }
0x93: {  	_ =	swait.eq [sflag:s15], $0x1  }
0x94: {  	[sflag:s15] =	ssyncset.done $0x0  }
0x95: {  	[sflag:s15] =	ssyncadd.s32 $0xFFFFFFFF  }
0x96: {  	s16 =	sld [smem:$0x10];
	(tm) =	ssettm $0x1  }
0x97: {  	s17 =	sld [smem:$0x3FFB];
	_ =	sdelay $0x3  }
0x98: {  	_ =	strace s17  }
0x99: {  	s3 =	sld [smem:$0x3FFC];
	_ =	sdelay $0x3  }
0x9a: {  	_ =	strace s3  }
0x9b: {  	s3 =	sld [smem:$0x3FFD];
	_ =	sdelay $0x3  }
0x9c: {  	_ =	strace s3  }
0x9d: {  	_ =	strace $0x8FFFFFFF  }
0x9e: {  	s18 =	sld [smem:$0x3FDB];
	_ =	sdelay $0x1  }
0x9f: {  	s19 =	simm.s32 $_scs_section_size  }
0xa0: {  	s5 =	simm.s32 $_size__tile_overlayer_lowered;
	s6 =	simm.s32 $_tile_overlayer_lowered  }
0xa1: {  	s22 =	simm.s32 $0x1BFF;
	s21 =	sshll.u32 s6, $0x1;
	s3 =	sadd.s32 s19, s18  }
0xa2: {  	s7 =	simm.s32 $0x0;
	s20 =	sshll.u32 s5, $0x1;
	s5 =	sadd.s32 s21, s3  }
0xa3: {  	[timem:s7], [sflag:s22] =	dma.local [hbm:s5], s20  }
0xa4: {  	_ =	swait.ge [sflag:s22], s20  }
0xa5: {  	s4 =	ssub.s32 $0x0, s20;
	[sflag:s22] =	ssyncset.done $0x0  }
0xa6: {  	[sflag:s22] =	ssyncadd.s32 s4;
	_ =	sdelay $0x1  }
0xa7: {  	s23 =	simm.s32 $0x1B8B  }
0xa8: {  	_ =	swait.ge [sflag:s23], $0x1  }
0xa9: {  	[sflag:s23] =	ssyncset.done $0x0  }
0xaa: {  	s25 =	simm.s32 $0x1B8E;
	s24 =	sld [smem:$0x3FFE];
	[sflag:s23] =	ssyncadd.s32 $0xFFFFFFFF  }
0xab: {  	s26 =	simm.s32 $execute0_lowered;
	[smem:$0x3FD2] =	sst s25  }
0xac: {  	s5 =	sshll.u32 s26, $0x1;
	_ =	strace $0x80000046;
	[dreg:$0x1] =	wrdreg $0xFFFFFFFF  }
0xad: {  	s28 =	simm.s32 $_size_execute0_lowered;
	s3 =	sadd.s32 s3, s5;
	[dreg:$0x0] =	wrdreg $0x0  }
0xae: {  	s5 =	sshll.u32 s28, $0x1;
	[dreg:$0x2] =	wrdreg s3  }
0xaf: {  	[dreg:$0x3] =	wrdreg s5  }
0xb0: {  	[dreg:$0x4] =	wrdreg $0xC0  }
0xb1: {  	_ =	task [dreg:s7], $0x5FFFF  }
0xb2: {  	[dreg:$0x1] =	wrdreg $0xFFFFFFFF  }
0xb3: {  	[dreg:$0x0] =	wrdreg $0x60  }
0xb4: {  	[dreg:$0x2] =	wrdreg s16  }
0xb5: {  	[dreg:$0x3] =	wrdreg s24  }
0xb6: {  	[dreg:$0x4] =	wrdreg $0x9  }
0xb7: {  	_ =	task.clear_ibuf [dreg:s7], $0x5FFFF;
	_ =	strace $0x90000046  }
0xb8: {  	s29 =	simm.s32 $0x9;
	_ =	strace $0x80000048  }
0xb9: {  	_ =	swait.ge [sflag:s29], $0x1  }
0xba: {  	[sflag:s29] =	ssyncadd.s32 $0xFFFFFFFF  }
0xbb: {  	_ =	strace $0x90000048  }
0xbc: {  	_ =	sfence  }
0xbd: {  	s30 =	sld [smem:$0x0];
	_ =	sdelay $0x2  }
0xbe: {  	s31 =	sshll.u32 s1, $0xD;
	s1 =	sshrl.u32 s1, $0x2  }
0xbf: {  	s3 =	sand.u32 $0x4000, s31;
	s1 =	sadd.s32 s1, s30  }
0xc0: {  	s0 =	sor.u32 s3, s0;
	s1 =	sshll.u32 s1, $0x11  }
0xc1: {  	s0 =	sor.u32 s1, s0  }
0xc2: {  	s0 =	sadd.s32 $0x8F2B, s0  }
0xc3: {  	[sflag:s0] =	ssyncadd.remote.s32 $0x1  }
0xc4: {  	_ =	sfence.sel $0xFFFF  }
0xc5: {  	[dreg:$0x0] =	wrdreg $0xFFFFFFFF;
	(pc) =	sbr.abs _section_cstart, $3  }
0xc6: {  	[dreg:$0x1] =	wrdreg $0xFFFFFFFF  }
0xc7: {  	_ =	task.clear_ibuf [dreg:s7], $0x2FFFF;
	_ =	strace $0x9FFFFFFF  }
0xc8: {  	(tm) =	ssettm $0x7FFFFFFF  }
0xc9: {  	_ =	shalt  }
tec
execute0_lowered:
.L_overlay_start_1:
0x0: {  	(tag) =	ssettag $0x1  }
0x1: {  	s5 =	rddreg [dreg:$0x0]  }
0x2: {  	s6 =	rddreg [dreg:$0x1]  }
0x3: {  	s0 =	rddreg [dreg:$0x2];
	s3 =	srdreg.scid  }
0x4: {  	s1 =	stileid.u32;
	s2 =	simm.s32 $0x0;
	s10 =	simm.s32 $0x2  }
0x5: {  	s11 =	simm.s32 $0x4F00;
	s12 =	simm.s32 $0x6800;
	s13 =	simm.s32 $0x8100  }
0x6: {  	s14 =	simm.s32 $0x9A00;
	s15 =	simm.s32 $0x3;
	s16 =	simm.s32 $0x4  }
0x7: {  	s17 =	simm.s32 $0x0;
	s3 =	sand.u32 $0x1, s3;
	s4 =	sshll.u32 s1, $0x1  }
0x8: {  	[smem:$0x7FF] =	sst s2;
	s4 =	sor.u32 s3, s4;
	s8 =	ssub.s32 $0x2, s3  }
0x9: {  	_ =	strace $0x80000047;
	s7 =	smul.u32 $0x4E2, s4;
	s9 =	sshrl.u32 s8, $0x1  }
0xa: {  	s3 =	sadd.s32 $0xB600, s6;
	s4 =	sadd.s32 $0x1800, s6;
	s8 =	ssub.s32 s8, s9  }
0xb: {  	s9 =	simm.s32 $0x1;
	s6 =	sadd.s32 s7, s6;
	s5 =	sadd.s32 s5, s7  }
0xc: {  	s7 =	smax.u32 s8, $0x1;
	s8 =	simm.s32 $0x2780;
	s6 =	sadd.s32 $0x15400, s6  }
.LBB2_1:
0xd: {  	[tilespmem:s2], [sflag:$0x1] =	stream.linear.gather [hbm4b:s5+s2], $0x2710, $0x38;
	[tilespmem:$0xB300] =	vst v63  }
0xe: {  	_ = 	snop  }
0xf: {  	[tilespmem:s8], [sflag:$0x2] =	stream.linear.gather [hbm4b:s5+s2], $0x2710, $0x38;
	[tilespmem:$0xB300] =	vst v63  }
0x10: {  	_ =	swait.ge [sflag:s9], $0x2710  }
0x11: {  	[sflag:s9] =	ssyncset.done $0x0  }
0x12: {  	[sflag:s9] =	ssyncadd.s32 $0xFFFFD8F0  }
0x13: {  	_ =	swait.ge [sflag:s10], $0x2710  }
0x14: {  	[sflag:s10] =	ssyncset.done $0x0  }
0x15: {  	[sflag:s10] =	ssyncadd.s32 $0xFFFFD8F0  }
0x16: {  	[tilespmem:s11], [sflag:$0x1] =	stream.linear.gather [hbm4b:s3+s2], $0x1900, $0x38;
	[tilespmem:$0xB300] =	vst v63  }
0x17: {  	s18 =	simm.s32 $0x0  }
0x18: {  	[tilespmem:s12], [sflag:$0x2] =	stream.linear.gather [hbm4b:s4+s2], $0x1900, $0x38;
	[tilespmem:$0xB300] =	vst v63  }
.LBB2_2:
0x19: {  	_ =	swait.ge [sflag:s9], $0x1900  }
0x1a: {  	s19 =	smul.u32 $0x3200, s18;
	[sflag:s9] =	ssyncset.done $0x0  }
0x1b: {  	[sflag:s9] =	ssyncadd.s32 $0xFFFFE700  }
0x1c: {  	s20 =	sshrl.u32 s19, $0x3;
	_ =	swait.ge [sflag:s10], $0x1900  }
0x1d: {  	s20 =	sadd.s32 $0x320, s20;
	[sflag:s10] =	ssyncset.done $0x0  }
0x1e: {  	s21 =	sadd.s32 s3, s20;
	[sflag:s10] =	ssyncadd.s32 $0xFFFFE700  }
0x1f: {  	[tilespmem:s13], [sflag:$0x3] =	stream.linear.gather [hbm4b:s21+s2], $0x1900, $0x38;
	[tilespmem:$0xB300] =	vst v63  }
0x20: {  	s31 =	simm.s32 $0x4F40;
	s20 =	sadd.s32 s4, s20  }
0x21: {  	[tilespmem:s14], [sflag:$0x4] =	stream.linear.gather [hbm4b:s20+s2], $0x1900, $0x38;
	[tilespmem:$0xB300] =	vst v63  }
0x22: {  	v0 =	vld [tilespmem:s31+$0x30]  }
0x23: {  	v1 =	vld [tilespmem:s31+$0xFFFFFFD0]  }
0x24: {  	v2 =	vld [tilespmem:s31+$0xFFFFFFE0]  }
0x25: {  	v3 =	vld [tilespmem:s31+$0xFFFFFFF0]  }
0x26: {  	v4 =	vld [tilespmem:s31+$0x0]  }
0x27: {  	s20 =	simm.s32 $0x6840;
	v5 =	vld [tilespmem:s31+$0x10]  }
0x28: {  	v6 =	vld [tilespmem:s20+$0x30]  }
0x29: {  	v7 =	vld [tilespmem:s31+$0x20]  }
0x2a: {  	v8 =	vld [tilespmem:s31+$0xFFFFFFC0]  }
0x2b: {  	v63 =	vld [tilespmem:s20+$0xFFFFFFC0]  }
0x2c: {  	v10 =	vld [tilespmem:s20+$0xFFFFFFD0]  }
0x2d: {  	v11 =	vld [tilespmem:s20+$0xFFFFFFE0]  }
0x2e: {  	v12 =	vld [tilespmem:s20+$0xFFFFFFF0]  }
0x2f: {  	v13 =	vld [tilespmem:s20+$0x0]  }
0x30: {  	v14 =	vld [tilespmem:s20+$0x10]  }
0x31: {  	v0 =	vld.idx.msk [tilespmem:v0+s2+$0x0], $0xffff  }
0x32: {  	v9 =	vld.idx.msk [tilespmem:v1+s2+$0x0], $0xffff  }
0x33: {  	v2 =	vld.idx.msk [tilespmem:v2+s2+$0x0], $0xffff  }
0x34: {  	v3 =	vld.idx.msk [tilespmem:v3+s2+$0x0], $0xffff  }
0x35: {  	v4 =	vld.idx.msk [tilespmem:v4+s2+$0x0], $0xffff  }
0x36: {  	v62 =	vld.idx.msk [tilespmem:v8+s2+$0x0], $0xffff  }
0x37: {  	v5 =	vld.idx.msk [tilespmem:v5+s2+$0x0], $0xffff  }
0x38: {  	v1 =	vld [tilespmem:s20+$0x20]  }
0x39: {  	[tilespmem:v6+s8+$0x0] =	vst.idx.add.f32.msk $0xffff, v0  }
0x3a: {  	v0 =	vld.idx.msk [tilespmem:v7+s2+$0x0], $0xffff  }
0x3b: {  	[tilespmem:v63+s8+$0x0] =	vst.idx.add.f32.msk $0xffff, v62  }
0x3c: {  	[tilespmem:v10+s8+$0x0] =	vst.idx.add.f32.msk $0xffff, v9  }
0x3d: {  	[tilespmem:v11+s8+$0x0] =	vst.idx.add.f32.msk $0xffff, v2  }
0x3e: {  	[tilespmem:v12+s8+$0x0] =	vst.idx.add.f32.msk $0xffff, v3  }
0x3f: {  	[tilespmem:v13+s8+$0x0] =	vst.idx.add.f32.msk $0xffff, v4  }
0x40: {  	s22 =	simm.s32 $0x4FC0;
	s21 =	simm.s32 $0x0;
	[tilespmem:v14+s8+$0x0] =	vst.idx.add.f32.msk $0xffff, v5  }
.LBB2_3:
0x41: {  	v2 =	vld [tilespmem:s22+$0x30];
	s21 =	sadd.s32 $0x80, s21  }
0x42: {  	v3 =	vld [tilespmem:s22+$0xFFFFFFD0];
	p0 =	slt.u32 s21, $0x1880  }
0x43: {  	v4 =	vld [tilespmem:s22+$0xFFFFFFE0]  }
0x44: {  	v5 =	vld [tilespmem:s22+$0xFFFFFFF0]  }
0x45: {  	v6 =	vld [tilespmem:s22+$0x0]  }
0x46: {  	s20 =	sadd.s32 $0x80, s20;
	v7 =	vld [tilespmem:s22+$0x10]  }
0x47: {  	v8 =	vld [tilespmem:s20+$0x30]  }
0x48: {  	v9 =	vld [tilespmem:s22+$0x20]  }
0x49: {  	v2 =	vld.idx.msk [tilespmem:v2+s2+$0x0], $0xffff  }
0x4a: {  	v10 =	vld [tilespmem:s22+$0xFFFFFFC0]  }
0x4b: {  	v3 =	vld.idx.msk [tilespmem:v3+s2+$0x0], $0xffff  }
0x4c: {  	v4 =	vld.idx.msk [tilespmem:v4+s2+$0x0], $0xffff  }
0x4d: {  	v5 =	vld.idx.msk [tilespmem:v5+s2+$0x0], $0xffff  }
0x4e: {  	v6 =	vld.idx.msk [tilespmem:v6+s2+$0x0], $0xffff  }
0x4f: {  	[tilespmem:v8+s8+$0x0] =	vst.idx.add.f32.msk $0xffff, v2  }
0x50: {  	v2 =	vld.idx.msk [tilespmem:v7+s2+$0x0], $0xffff  }
0x51: {  	v7 =	vld.idx.msk [tilespmem:v9+s2+$0x0], $0xffff  }
0x52: {  	v8 =	vld.idx.msk [tilespmem:v10+s2+$0x0], $0xffff  }
0x53: {  	v9 =	vld [tilespmem:s20+$0xFFFFFFC0]  }
0x54: {  	v10 =	vld [tilespmem:s20+$0xFFFFFFD0]  }
0x55: {  	v11 =	vld [tilespmem:s20+$0xFFFFFFE0]  }
0x56: {  	v12 =	vld [tilespmem:s20+$0xFFFFFFF0]  }
0x57: {  	v13 =	vld [tilespmem:s20+$0x0]  }
0x58: {  	v14 =	vld [tilespmem:s20+$0x10]  }
0x59: {  	v15 =	vld [tilespmem:s20+$0x20]  }
0x5a: {  	[tilespmem:v1+s8+$0x0] =	vst.idx.add.f32.msk $0xffff, v0;
	v0 =	vmov v7  }
0x5b: {  	[tilespmem:v9+s8+$0x0] =	vst.idx.add.f32.msk $0xffff, v8  }
.Ltmp0:
0x5c: {  	[tilespmem:v10+s8+$0x0] =	vst.idx.add.f32.msk $0xffff, v3;
	(pc) =	sbr.rel @p0 .LBB2_3-.Ltmp0, $4  }
0x5d: {  	[tilespmem:v11+s8+$0x0] =	vst.idx.add.f32.msk $0xffff, v4  }
0x5e: {  	[tilespmem:v12+s8+$0x0] =	vst.idx.add.f32.msk $0xffff, v5;
	v1 =	vmov v15  }
0x5f: {  	[tilespmem:v13+s8+$0x0] =	vst.idx.add.f32.msk $0xffff, v6  }
0x60: {  	s22 =	sadd.s32 $0x80, s22;
	[tilespmem:v14+s8+$0x0] =	vst.idx.add.f32.msk $0xffff, v2  }
0x61: {  	_ =	sdelay $0x3  }
0x62: {  	[tilespmem:v1+s8+$0x0] =	vst.idx.add.f32.msk $0xffff, v0  }
0x63: {  	_ =	swait.ge [sflag:s15], $0x1900  }
0x64: {  	[sflag:s15] =	ssyncset.done $0x0  }
0x65: {  	p0 =	seq.s32 s18, $0x18;
	[sflag:s15] =	ssyncadd.s32 $0xFFFFE700  }
0x66: {  	s19 =	sshrl.u32 @!p0 s19, $0x3;
	_ =	swait.ge [sflag:s16], $0x1900  }
0x67: {  	s21 =	simm.s32 @!p0 $0x0;
	s19 =	sadd.s32 @!p0 $0x640, s19;
	[sflag:s16] =	ssyncset.done $0x0  }
0x68: {  	s22 =	simm.s32 @!p0 $0x4F00;
	s20 =	sadd.s32 @!p0 s3, s19;
	[sflag:s16] =	ssyncadd.s32 $0xFFFFE700  }
0x69: {  	[tilespmem:s22], [sflag:$0x1] =	stream.linear.gather @!p0 [hbm4b:s20+s21], $0x1900, $0x38;
	[tilespmem:$0xB300] =	vst v63  }
0x6a: {  	s31 =	simm.s32 $0x8140;
	s19 =	sadd.s32 @!p0 s4, s19;
	s20 =	simm.s32 @!p0 $0x6800  }
0x6b: {  	[tilespmem:s20], [sflag:$0x2] =	stream.linear.gather @!p0 [hbm4b:s19+s21], $0x1900, $0x38;
	[tilespmem:$0xB300] =	vst v63  }
0x6c: {  	v0 =	vld [tilespmem:s31+$0x30]  }
0x6d: {  	v1 =	vld [tilespmem:s31+$0xFFFFFFD0]  }
0x6e: {  	v2 =	vld [tilespmem:s31+$0xFFFFFFE0]  }
0x6f: {  	v3 =	vld [tilespmem:s31+$0xFFFFFFF0]  }
0x70: {  	v4 =	vld [tilespmem:s31+$0x0]  }
0x71: {  	s19 =	simm.s32 $0x9A40;
	v5 =	vld [tilespmem:s31+$0x10]  }
0x72: {  	v6 =	vld [tilespmem:s19+$0x30]  }
0x73: {  	v7 =	vld [tilespmem:s31+$0x20]  }
0x74: {  	v8 =	vld [tilespmem:s31+$0xFFFFFFC0]  }
0x75: {  	v63 =	vld [tilespmem:s19+$0xFFFFFFC0]  }
0x76: {  	v10 =	vld [tilespmem:s19+$0xFFFFFFD0]  }
0x77: {  	v11 =	vld [tilespmem:s19+$0xFFFFFFE0]  }
0x78: {  	v12 =	vld [tilespmem:s19+$0xFFFFFFF0]  }
0x79: {  	v13 =	vld [tilespmem:s19+$0x0]  }
0x7a: {  	v14 =	vld [tilespmem:s19+$0x10]  }
0x7b: {  	v0 =	vld.idx.msk [tilespmem:v0+s2+$0x0], $0xffff  }
0x7c: {  	v9 =	vld.idx.msk [tilespmem:v1+s2+$0x0], $0xffff  }
0x7d: {  	v2 =	vld.idx.msk [tilespmem:v2+s2+$0x0], $0xffff  }
0x7e: {  	v3 =	vld.idx.msk [tilespmem:v3+s2+$0x0], $0xffff  }
0x7f: {  	v4 =	vld.idx.msk [tilespmem:v4+s2+$0x0], $0xffff  }
0x80: {  	v62 =	vld.idx.msk [tilespmem:v8+s2+$0x0], $0xffff  }
0x81: {  	v5 =	vld.idx.msk [tilespmem:v5+s2+$0x0], $0xffff  }
0x82: {  	v1 =	vld [tilespmem:s19+$0x20]  }
0x83: {  	[tilespmem:v6+s8+$0x0] =	vst.idx.add.f32.msk $0xffff, v0  }
0x84: {  	v0 =	vld.idx.msk [tilespmem:v7+s2+$0x0], $0xffff  }
0x85: {  	[tilespmem:v63+s8+$0x0] =	vst.idx.add.f32.msk $0xffff, v62  }
0x86: {  	[tilespmem:v10+s8+$0x0] =	vst.idx.add.f32.msk $0xffff, v9  }
0x87: {  	[tilespmem:v11+s8+$0x0] =	vst.idx.add.f32.msk $0xffff, v2  }
0x88: {  	[tilespmem:v12+s8+$0x0] =	vst.idx.add.f32.msk $0xffff, v3  }
0x89: {  	[tilespmem:v13+s8+$0x0] =	vst.idx.add.f32.msk $0xffff, v4  }
0x8a: {  	s20 =	simm.s32 $0x0;
	s21 =	simm.s32 $0x81C0;
	[tilespmem:v14+s8+$0x0] =	vst.idx.add.f32.msk $0xffff, v5  }
.LBB2_5:
0x8b: {  	v2 =	vld [tilespmem:s21+$0x30];
	s20 =	sadd.s32 $0x80, s20  }
0x8c: {  	v3 =	vld [tilespmem:s21+$0xFFFFFFD0];
	p0 =	slt.u32 s20, $0x1880  }
0x8d: {  	v4 =	vld [tilespmem:s21+$0xFFFFFFE0]  }
0x8e: {  	v5 =	vld [tilespmem:s21+$0xFFFFFFF0]  }
0x8f: {  	v6 =	vld [tilespmem:s21+$0x0]  }
0x90: {  	s19 =	sadd.s32 $0x80, s19;
	v7 =	vld [tilespmem:s21+$0x10]  }
0x91: {  	v8 =	vld [tilespmem:s19+$0x30]  }
0x92: {  	v9 =	vld [tilespmem:s21+$0x20]  }
0x93: {  	v2 =	vld.idx.msk [tilespmem:v2+s2+$0x0], $0xffff  }
0x94: {  	v10 =	vld [tilespmem:s21+$0xFFFFFFC0]  }
0x95: {  	v3 =	vld.idx.msk [tilespmem:v3+s2+$0x0], $0xffff  }
0x96: {  	v4 =	vld.idx.msk [tilespmem:v4+s2+$0x0], $0xffff  }
0x97: {  	v5 =	vld.idx.msk [tilespmem:v5+s2+$0x0], $0xffff  }
0x98: {  	v6 =	vld.idx.msk [tilespmem:v6+s2+$0x0], $0xffff  }
0x99: {  	[tilespmem:v8+s8+$0x0] =	vst.idx.add.f32.msk $0xffff, v2  }
0x9a: {  	v2 =	vld.idx.msk [tilespmem:v7+s2+$0x0], $0xffff  }
0x9b: {  	v7 =	vld.idx.msk [tilespmem:v9+s2+$0x0], $0xffff  }
0x9c: {  	v8 =	vld.idx.msk [tilespmem:v10+s2+$0x0], $0xffff  }
0x9d: {  	v9 =	vld [tilespmem:s19+$0xFFFFFFC0]  }
0x9e: {  	v10 =	vld [tilespmem:s19+$0xFFFFFFD0]  }
0x9f: {  	v11 =	vld [tilespmem:s19+$0xFFFFFFE0]  }
0xa0: {  	v12 =	vld [tilespmem:s19+$0xFFFFFFF0]  }
0xa1: {  	v13 =	vld [tilespmem:s19+$0x0]  }
0xa2: {  	v14 =	vld [tilespmem:s19+$0x10]  }
0xa3: {  	v15 =	vld [tilespmem:s19+$0x20]  }
0xa4: {  	[tilespmem:v1+s8+$0x0] =	vst.idx.add.f32.msk $0xffff, v0;
	v0 =	vmov v7  }
0xa5: {  	[tilespmem:v9+s8+$0x0] =	vst.idx.add.f32.msk $0xffff, v8  }
.Ltmp1:
0xa6: {  	[tilespmem:v10+s8+$0x0] =	vst.idx.add.f32.msk $0xffff, v3;
	(pc) =	sbr.rel @p0 .LBB2_5-.Ltmp1, $4  }
0xa7: {  	[tilespmem:v11+s8+$0x0] =	vst.idx.add.f32.msk $0xffff, v4  }
0xa8: {  	[tilespmem:v12+s8+$0x0] =	vst.idx.add.f32.msk $0xffff, v5;
	v1 =	vmov v15  }
0xa9: {  	[tilespmem:v13+s8+$0x0] =	vst.idx.add.f32.msk $0xffff, v6  }
0xaa: {  	s21 =	sadd.s32 $0x80, s21;
	[tilespmem:v14+s8+$0x0] =	vst.idx.add.f32.msk $0xffff, v2  }
0xab: {  	s18 =	sadd.s32 $0x1, s18  }
0xac: {  	p0 =	sne.s32 s18, $0x19  }
.Ltmp2:
0xad: {  	_ = 	snop;
	(pc) =	sbr.rel @p0 .LBB2_2-.Ltmp2, $2  }
0xae: {  	_ =	sdelay $0x2  }
0xaf: {  	[tilespmem:v1+s8+$0x0] =	vst.idx.add.f32.msk $0xffff, v0  }
0xb0: {  	s17 =	sadd.s32 $0x1, s17  }
0xb1: {  	p0 =	sne.s32 s17, s7  }
.Ltmp3:
0xb2: {  	_ = 	snop;
	(pc) =	sbr.rel @p0 .LBB2_1-.Ltmp3, $4  }
0xb3: {  	[hbm4b:s6+s2] =	stream.linear.scatter [tilespmem:s8], [sflag:$0x1], $0x2710, $0x38;
	[tilespmem:$0xB300] =	vst v63  }
0xb4: {  	_ =	swait.ge [sflag:s9], $0x2710  }
0xb5: {  	[sflag:s9] =	ssyncset.done $0x0  }
0xb6: {  	[sflag:s9] =	ssyncadd.s32 $0xFFFFD8F0  }
0xb7: {  	_ =	sfence.sel $0x180000  }
0xb8: {  	[bflag:$0x0] =	sbarrier.arrive $0xFFFF  }
0xb9: {  	p0 =	sne.s32 s1, $0x0;
	_ =	strace $0x90000047  }
0xba: {  	s0 =	sadd.s32 @!p0 $0x100000, s0;
	[bflag:$0x2] =	sbarrier.arrive $0xFFFF  }
0xbb: {  	[sflag:s0] =	ssyncadd.tile.s32 @!p0 $0x1;
	_ =	shalt  }
.Lfunc_end2:
_tile_overlayer_lowered:
.L_overlay_start_2:
0xbc: {  	(tag) =	ssettag $0x2  }
0xbd: {  	s0 =	rddreg [dreg:$0x0];
	s2 =	stileid.u32  }
0xbe: {  	s1 =	rddreg [dreg:$0x1];
	p0 =	sne.s32 s2, $0x0  }
0xbf: {  	s3 =	rddreg [dreg:$0x2];
	[bflag:$0x3] =	sbarrier.arrive $0xFFFF;
	s2 =	simm.s32 @!p0 $0x1C05  }
0xc0: {  	[timem:s3], [sflag:s2] =	dma.local @!p0 [hbm:s0], s1  }
0xc1: {  	s0 =	simm.s32 @!p0 $0x5  }
0xc2: {  	_ =	swait.ge @!p0 [sflag:s0], s1  }
0xc3: {  	s1 =	ssub.s32 @!p0 $0x0, s1;
	[sflag:s0] =	ssyncset.done @!p0 $0x0  }
0xc4: {  	[sflag:s0] =	ssyncadd.s32 @!p0 s1  }
0xc5: {  	[bflag:$0x3] =	sbarrier.arrive $0xFFFF  }
0xc6: {  	_ =	shalt  }

</sc_bundles>
